<compile_context>
chip_gen: v7x
topology: tpu7x:2x2x1
jax: 0.10.2.dev20260603
libtpu: 0.0.44.dev20260713+nightly
codegen_flags: <defaults>
</compile_context>

<pallas_src>
import functools

import jax
import jax.numpy as jnp
from jax import lax
from jax.experimental import pallas as pl
from jax.experimental.pallas import tpu as pltpu
from jax.experimental.pallas import tpu_sc as plsc

N = 10000
NPAD = 10240
NC, NS = 2, 16
NW = NC * NS
CH = 80
DSC = 128


def _prep_indices(src, dst):
    e = src.shape[0]
    epw = -(-e // NW)
    nchunk = -(-epw // CH)
    nchunk = -(-nchunk // 8) * 8
    total = NW * nchunk * CH
    pad = total - e
    pad_ar = jnp.arange(pad, dtype=jnp.int32)
    src_p = jnp.concatenate([src, pad_ar % N])
    dst_p = jnp.concatenate([dst, N + pad_ar % (NPAD - N)])
    return (src_p.reshape(NW, nchunk * CH), dst_p.reshape(NW, nchunk, CH),
            nchunk)


@functools.cache
def _make_sc_segment_sum(nchunk):
    mesh = plsc.VectorSubcoreMesh(core_axis_name="c", subcore_axis_name="s",
                                  num_cores=NC, num_subcores=NS)
    rpt = NPAD // NS

    @functools.partial(
        pl.kernel,
        out_type=jax.ShapeDtypeStruct((NC, NPAD, DSC), jnp.float32),
        mesh=mesh,
        scratch_types=[
            pltpu.VMEM((nchunk * CH,), jnp.int32),
            pltpu.VMEM((nchunk, CH), jnp.int32),
            pltpu.VMEM((2, CH, DSC), jnp.float32),
            pltpu.VMEM_SHARED((NPAD, DSC), jnp.float32),
            pltpu.SemaphoreType.DMA,
        ],
    )
    def sc_kernel(y_hbm, src_hbm, dst_hbm, init_hbm, out_hbm,
                  src_v, dst_v, rows_v, acc_s, sem_a):
        cid = lax.axis_index("c")
        sid = lax.axis_index("s")
        wid = sid * NC + cid
        r0 = sid * rpt
        rsub = rpt // 8

        def init_body(k, carry):
            rk = r0 + k * rsub
            pltpu.sync_copy(init_hbm.at[cid, pl.ds(rk, rsub)],
                            acc_s.at[pl.ds(rk, rsub)])
            return carry

        lax.fori_loop(0, 8, init_body, 0)
        pltpu.sync_copy(src_hbm.at[wid], src_v)
        pltpu.sync_copy(dst_hbm.at[wid], dst_v)
        plsc.subcore_barrier()

        def start_gather(j, par):
            pltpu.async_copy(y_hbm.at[src_v.at[pl.ds(j * CH, CH)]],
                             rows_v.at[par], sem_a)

        start_gather(0, 0)

        def body(j, carry):
            par = lax.rem(j, 2)

            @pl.when(j + 1 < nchunk)
            def _():
                start_gather(j + 1, 1 - par)

            pltpu.make_async_copy(
                y_hbm.at[src_v.at[pl.ds(j * CH, CH)]],
                rows_v.at[par], sem_a).wait()
            pltpu.sync_copy(rows_v.at[par], acc_s.at[dst_v.at[j]], add=True)
            return carry

        lax.fori_loop(0, nchunk, body, 0)
        plsc.subcore_barrier()

        def out_body(k, carry):
            rk = r0 + k * rsub
            pltpu.sync_copy(acc_s.at[pl.ds(rk, rsub)],
                            out_hbm.at[cid, pl.ds(rk, rsub)])
            return carry

        lax.fori_loop(0, 8, out_body, 0)

    return sc_kernel


@functools.cache
def _make_sc_segment_sum_1d(nchunk):
    mesh = plsc.VectorSubcoreMesh(core_axis_name="c", subcore_axis_name="s",
                                  num_cores=NC, num_subcores=NS)
    rpt = NPAD // NS

    @functools.partial(
        pl.kernel,
        out_type=jax.ShapeDtypeStruct((NC, NPAD), jnp.float32),
        mesh=mesh,
        scratch_types=[
            pltpu.VMEM((nchunk * CH,), jnp.int32),
            pltpu.VMEM((nchunk, CH), jnp.int32),
            pltpu.VMEM((2, CH), jnp.float32),
            pltpu.VMEM_SHARED((NPAD,), jnp.float32),
            pltpu.SemaphoreType.DMA,
        ],
    )
    def sc_kernel(y_hbm, src_hbm, dst_hbm, init_hbm, out_hbm,
                  src_v, dst_v, vals_v, acc_s, sem_a):
        cid = lax.axis_index("c")
        sid = lax.axis_index("s")
        wid = sid * NC + cid
        r0 = sid * rpt
        pltpu.sync_copy(init_hbm.at[cid, pl.ds(r0, rpt)],
                        acc_s.at[pl.ds(r0, rpt)])
        pltpu.sync_copy(src_hbm.at[wid], src_v)
        pltpu.sync_copy(dst_hbm.at[wid], dst_v)
        plsc.subcore_barrier()

        def start_gather(j, par):
            pltpu.async_copy(y_hbm.at[src_v.at[pl.ds(j * CH, CH)]],
                             vals_v.at[par], sem_a)

        start_gather(0, 0)

        def body(j, carry):
            par = lax.rem(j, 2)

            @pl.when(j + 1 < nchunk)
            def _():
                start_gather(j + 1, 1 - par)

            pltpu.make_async_copy(
                y_hbm.at[src_v.at[pl.ds(j * CH, CH)]],
                vals_v.at[par], sem_a).wait()
            pltpu.sync_copy(vals_v.at[par], acc_s.at[dst_v.at[j]], add=True)
            return carry

        lax.fori_loop(0, nchunk, body, 0)
        plsc.subcore_barrier()
        pltpu.sync_copy(acc_s.at[pl.ds(r0, rpt)],
                        out_hbm.at[cid, pl.ds(r0, rpt)])

    return sc_kernel


def _dense_stage_outputs(x, w_r, ws_r, b_r, y_r, init_r):
    d = w_r.shape[1]
    y = jnp.dot(x, w_r[...], preferred_element_type=jnp.float32)
    s = jnp.dot(x, ws_r[...], preferred_element_type=jnp.float32) + b_r[...]
    zc = jnp.zeros((N, DSC - d), jnp.float32)
    zr = jnp.zeros((NPAD - N, DSC), jnp.float32)
    y_r[...] = jnp.concatenate([y, zc], axis=1)
    init_r[0, :, :] = jnp.concatenate(
        [jnp.concatenate([s, zc], axis=1), zr], axis=0)
    init_r[1, :, :] = jnp.zeros((NPAD, DSC), jnp.float32)


def _dense_first(one_hot, features, w, ws, b):

    def body(oh_r, ft_r, w_r, ws_r, b_r, y_r, init_r):
        x = jnp.concatenate([oh_r[...], ft_r[...]], axis=1)
        _dense_stage_outputs(x, w_r, ws_r, b_r, y_r, init_r)

    return pl.pallas_call(
        body,
        out_shape=(jax.ShapeDtypeStruct((N, DSC), jnp.float32),
                   jax.ShapeDtypeStruct((2, NPAD, DSC), jnp.float32)),
    )(one_hot, features, w, ws, b.reshape(1, -1))


def _dense_mid(parts, w, ws, b):
    din = w.shape[0]

    def body(p_r, w_r, ws_r, b_r, y_r, init_r):
        x = jnp.maximum(p_r[0] + p_r[1], 0.0)[:N, :din]
        _dense_stage_outputs(x, w_r, ws_r, b_r, y_r, init_r)

    return pl.pallas_call(
        body,
        out_shape=(jax.ShapeDtypeStruct((N, DSC), jnp.float32),
                   jax.ShapeDtypeStruct((2, NPAD, DSC), jnp.float32)),
    )(parts, w, ws, b.reshape(1, -1))


def _dense_last(parts, w, ws, b):
    din = w.shape[0]

    def body(p_r, w_r, ws_r, b_r, y_r, init_r):
        x = jnp.maximum(p_r[0] + p_r[1], 0.0)[:N, :din]
        y = jnp.dot(x, w_r[...], preferred_element_type=jnp.float32)
        s = jnp.dot(x, ws_r[...], preferred_element_type=jnp.float32) + b_r[...]
        y_r[...] = y
        init_r[0, :, :] = jnp.concatenate(
            [s, jnp.zeros((NPAD - N, 1), jnp.float32)], axis=0)
        init_r[1, :, :] = jnp.zeros((NPAD, 1), jnp.float32)

    y, init = pl.pallas_call(
        body,
        out_shape=(jax.ShapeDtypeStruct((N, 1), jnp.float32),
                   jax.ShapeDtypeStruct((2, NPAD, 1), jnp.float32)),
    )(parts, w, ws, b.reshape(1, -1))
    return y.reshape(N), init.reshape(2, NPAD)


def _mean_final(parts):

    def body(p_r, out_r):
        x = jnp.maximum(p_r[0:1, :] + p_r[1:2, :], 0.0)[:, :N]
        out_r[...] = jnp.sum(x, axis=1, keepdims=True) / N

    out = pl.pallas_call(
        body, out_shape=jax.ShapeDtypeStruct((1, 1), jnp.float32))(parts)
    return out[0, 0]


def kernel(one_hot, features, gemme_features, a_res,
           W1, Ws1, b1, W2, Ws2, b2, W3, Ws3, b3, W4, Ws4, b4):
    del gemme_features
    src2, dst2, nchunk = _prep_indices(a_res[0], a_res[1])
    sc_seg = _make_sc_segment_sum(nchunk)

    parts = None
    for li, (w, ws, b) in enumerate(
            ((W1, Ws1, b1), (W2, Ws2, b2), (W3, Ws3, b3))):
        if li == 0:
            y, init = _dense_first(one_hot, features, w, ws, b)
        else:
            y, init = _dense_mid(parts, w, ws, b)
        parts = sc_seg(y, src2, dst2, init)
    y1d, init1d = _dense_last(parts, W4, Ws4, b4)
    parts1d = _make_sc_segment_sum_1d(nchunk)(y1d, src2, dst2, init1d)
    return _mean_final(parts1d)

# --- scband reference (transcript-rebuilt; emitter-appended) ---
"""Pipeline reference for scband-l1-77206332113741 (READ-ONLY COPY).

The authoritative reference and input builder live on the scoring server;
editing this copy changes nothing except your own understanding.
"""

import jax, jax.numpy as jnp
import numpy as np

N = 10000
E = 320000
FEATURES_DIM = 108
RESIDUE_TYPES_N = 20
DIMS = [RESIDUE_TYPES_N + FEATURES_DIM, 16, 8, 4, 1]


def setup_inputs(seed: int = 0) -> dict:
    key = jax.random.key(seed)
    ks = jax.random.split(key, 20)
    inp = {}
    inp["one_hot"] = jax.random.uniform(ks[0], (N, RESIDUE_TYPES_N), dtype=jnp.float32)
    inp["features"] = jax.random.normal(ks[1], (N, FEATURES_DIM), dtype=jnp.float32)
    inp["gemme_features"] = jax.random.normal(ks[2], (N, 1), dtype=jnp.float32)
    inp["a_res"] = jax.random.randint(ks[3], (2, E), 0, N, dtype=jnp.int32)
    # Learned parameters for the 4 GraphConvSparseOne layers:
    # neighbor-aggregation weight W, self-loop weight Ws, bias b per layer.
    ki = 4
    for li in range(4):
        din, dout = DIMS[li], DIMS[li + 1]
        scale = 1.0 / np.sqrt(din)
        inp[f"W{li+1}"] = jax.random.normal(ks[ki], (din, dout), dtype=jnp.float32) * scale
        inp[f"Ws{li+1}"] = jax.random.normal(ks[ki + 1], (din, dout), dtype=jnp.float32) * scale
        inp[f"b{li+1}"] = jnp.zeros((dout,), dtype=jnp.float32)
        ki += 3
    return inp


def _graph_conv_sparse_one(x, src, dst, W, Ws, b):
    # sparse message passing: aggregate neighbor features along edges,
    # combine with self features, add bias, apply non-linearity (relu)
    msgs = jnp.take(x, src, axis=0)
    agg = jax.ops.segment_sum(msgs, dst, num_segments=N)
    return jax.nn.relu(agg @ W + x @ Ws + b)


def reference(one_hot, features, gemme_features, a_res,
              W1, Ws1, b1, W2, Ws2, b2, W3, Ws3, b3, W4, Ws4, b4):
    src = a_res[0]
    dst = a_res[1]
    x = jnp.concatenate([one_hot, features], axis=1)
    x = _graph_conv_sparse_one(x, src, dst, W1, Ws1, b1)
    x = _graph_conv_sparse_one(x, src, dst, W2, Ws2, b2)
    x = _graph_conv_sparse_one(x, src, dst, W3, Ws3, b3)
    x = _graph_conv_sparse_one(x, src, dst, W4, Ws4, b4)
    return jnp.mean(x)

if __name__ == "__main__":
    import jax
    _d = setup_inputs()
    print(jax.jit(kernel)(*tuple(_d.values())))

</pallas_src>

<mosaic_0001>
#map = affine_map<(d0, d1) -> (0, 0)>
#map1 = affine_map<(d0, d1) -> (0, 0, 0)>
module attributes {stable_mosaic.version = 14 : i64} {
  func.func @sc_kernel(%arg0: i32, %arg1: i32, %arg2: memref<10000x128xf32, #tpu.memory_space<hbm>>, %arg3: memref<32x10240xi32, #tpu.memory_space<hbm>>, %arg4: memref<32x128x80xi32, #tpu.memory_space<hbm>>, %arg5: memref<2x10240x128xf32, #tpu.memory_space<hbm>>, %arg6: memref<2x10240x128xf32, #tpu.memory_space<hbm>>, %arg7: memref<10240xi32, #tpu.memory_space<vmem>>, %arg8: memref<128x80xi32, #tpu.memory_space<vmem>>, %arg9: memref<2x80x128xf32, #tpu.memory_space<vmem>>, %arg10: memref<10240x128xf32, #tpu.memory_space<vmem_shared>>, %arg11: memref<!tpu.dma_semaphore, #tpu.memory_space<semaphore_mem>>) attributes {dimension_semantics = [#tpu.dimension_semantics<core_parallel>, #tpu.dimension_semantics<subcore_parallel>], iteration_bounds = array<i64: 2, 16>, scalar_prefetch = 0 : i64, scratch_operands = 5 : i64, tpu.core_type = #tpu.core_type<sc_vector_subcore>, window_params = [{transform_indices = #map}, {transform_indices = #map}, {transform_indices = #map1}, {transform_indices = #map1}, {transform_indices = #map1}]} {
    %mul3A = arith.constant 2 : i32
    %mul3A_0 = arith.muli %arg1, %mul3A : i32
    %add3A = arith.addi %mul3A_0, %arg0 : i32
    %mul3A_1 = arith.constant 640 : i32
    %mul3A_2 = arith.muli %arg1, %mul3A_1 : i32
    %scan3A = arith.constant 0 : i32
    %scan3A_3 = arith.constant 0 : i32
    %scan3A_4 = arith.constant 8 : i32
    %scan3A_5 = arith.addi %scan3A_3, %scan3A_4 : i32
    %scan3A_6 = arith.constant 1 : i32
    scf.for %scan3A_30 = %scan3A_3 to %scan3A_5 step %scan3A_6  : i32 {
      %mul3A_31 = arith.constant 80 : i32
      %mul3A_32 = arith.muli %scan3A_30, %mul3A_31 : i32
      %add3A_33 = arith.addi %mul3A_2, %mul3A_32 : i32
      "tpu.region"() ({
        %run_scoped3A = tpu.sem_alloc : memref<!tpu.dma_semaphore, #tpu.memory_space<semaphore_mem>>
        %dma_start3A_34 = arith.constant 0 : i32
        %dma_start3A_35 = tpu.memref_slice %arg10[%add3A_33, %dma_start3A_34] : memref<10240x128xf32, #tpu.memory_space<vmem_shared>> -> memref<80x128xf32, #tpu.memory_space<vmem_shared>>
        %dma_start3A_36 = arith.constant 0 : i32
        %dma_start3A_37 = tpu.memref_slice %arg5[%arg0, %add3A_33, %dma_start3A_36] : memref<2x10240x128xf32, #tpu.memory_space<hbm>> -> memref<1x80x128xf32, #tpu.memory_space<hbm>>
        %dma_start3A_38 = tpu.memref_squeeze %dma_start3A_37 : memref<1x80x128xf32, #tpu.memory_space<hbm>> -> memref<80x128xf32, #tpu.memory_space<hbm>>
        tpu.enqueue_dma source(%dma_start3A_38 : memref<80x128xf32, #tpu.memory_space<hbm>>) target(%dma_start3A_35 : memref<80x128xf32, #tpu.memory_space<vmem_shared>>) target_semaphore(%run_scoped3A : memref<!tpu.dma_semaphore, #tpu.memory_space<semaphore_mem>>)
        %dma_wait3A = arith.constant 0 : i32
        %dma_wait3A_39 = tpu.memref_slice %arg10[%add3A_33, %dma_wait3A] : memref<10240x128xf32, #tpu.memory_space<vmem_shared>> -> memref<80x128xf32, #tpu.memory_space<vmem_shared>>
        %dma_wait3A_40 = arith.constant 0 : i32
        %dma_wait3A_41 = tpu.memref_slice %arg5[%arg0, %add3A_33, %dma_wait3A_40] : memref<2x10240x128xf32, #tpu.memory_space<hbm>> -> memref<1x80x128xf32, #tpu.memory_space<hbm>>
        %dma_wait3A_42 = tpu.memref_squeeze %dma_wait3A_41 : memref<1x80x128xf32, #tpu.memory_space<hbm>> -> memref<80x128xf32, #tpu.memory_space<hbm>>
        tpu.wait_dma2 semaphore(%run_scoped3A : memref<!tpu.dma_semaphore, #tpu.memory_space<semaphore_mem>>) src(%dma_wait3A_42 : memref<80x128xf32, #tpu.memory_space<hbm>>) dst(%dma_wait3A_39 : memref<80x128xf32, #tpu.memory_space<vmem_shared>>)
        tpu.yield
      }) : () -> ()
    }
    %scan3A_7 = arith.constant 8 : i32
    "tpu.region"() ({
      %run_scoped3A = tpu.sem_alloc : memref<!tpu.dma_semaphore, #tpu.memory_space<semaphore_mem>>
      %dma_start3A_30 = arith.constant 0 : i32
      %dma_start3A_31 = tpu.memref_slice %arg3[%add3A, %dma_start3A_30] : memref<32x10240xi32, #tpu.memory_space<hbm>> -> memref<1x10240xi32, #tpu.memory_space<hbm>>
      %dma_start3A_32 = tpu.memref_squeeze %dma_start3A_31 : memref<1x10240xi32, #tpu.memory_space<hbm>> -> memref<10240xi32, #tpu.memory_space<hbm>>
      %dma_start3A_33 = arith.constant 0 : i32
      %dma_start3A_34 = tpu.memref_slice %arg3[%add3A, %dma_start3A_33] : memref<32x10240xi32, #tpu.memory_space<hbm>> -> memref<1x10240xi32, #tpu.memory_space<hbm>>
      %dma_start3A_35 = tpu.memref_squeeze %dma_start3A_34 : memref<1x10240xi32, #tpu.memory_space<hbm>> -> memref<10240xi32, #tpu.memory_space<hbm>>
      tpu.enqueue_dma source(%dma_start3A_35 : memref<10240xi32, #tpu.memory_space<hbm>>) target(%arg7 : memref<10240xi32, #tpu.memory_space<vmem>>) target_semaphore(%run_scoped3A : memref<!tpu.dma_semaphore, #tpu.memory_space<semaphore_mem>>)
      %dma_wait3A = arith.constant 0 : i32
      %dma_wait3A_36 = tpu.memref_slice %arg3[%add3A, %dma_wait3A] : memref<32x10240xi32, #tpu.memory_space<hbm>> -> memref<1x10240xi32, #tpu.memory_space<hbm>>
      %dma_wait3A_37 = tpu.memref_squeeze %dma_wait3A_36 : memref<1x10240xi32, #tpu.memory_space<hbm>> -> memref<10240xi32, #tpu.memory_space<hbm>>
      %dma_wait3A_38 = arith.constant 0 : i32
      %dma_wait3A_39 = tpu.memref_slice %arg3[%add3A, %dma_wait3A_38] : memref<32x10240xi32, #tpu.memory_space<hbm>> -> memref<1x10240xi32, #tpu.memory_space<hbm>>
      %dma_wait3A_40 = tpu.memref_squeeze %dma_wait3A_39 : memref<1x10240xi32, #tpu.memory_space<hbm>> -> memref<10240xi32, #tpu.memory_space<hbm>>
      tpu.wait_dma2 semaphore(%run_scoped3A : memref<!tpu.dma_semaphore, #tpu.memory_space<semaphore_mem>>) src(%dma_wait3A_40 : memref<10240xi32, #tpu.memory_space<hbm>>) dst(%arg7 : memref<10240xi32, #tpu.memory_space<vmem>>)
      tpu.yield
    }) : () -> ()
    "tpu.region"() ({
      %run_scoped3A = tpu.sem_alloc : memref<!tpu.dma_semaphore, #tpu.memory_space<semaphore_mem>>
      %dma_start3A_30 = arith.constant 0 : i32
      %dma_start3A_31 = arith.constant 0 : i32
      %dma_start3A_32 = tpu.memref_slice %arg4[%add3A, %dma_start3A_30, %dma_start3A_31] : memref<32x128x80xi32, #tpu.memory_space<hbm>> -> memref<1x128x80xi32, #tpu.memory_space<hbm>>
      %dma_start3A_33 = tpu.memref_squeeze %dma_start3A_32 : memref<1x128x80xi32, #tpu.memory_space<hbm>> -> memref<128x80xi32, #tpu.memory_space<hbm>>
      %dma_start3A_34 = arith.constant 0 : i32
      %dma_start3A_35 = arith.constant 0 : i32
      %dma_start3A_36 = tpu.memref_slice %arg4[%add3A, %dma_start3A_34, %dma_start3A_35] : memref<32x128x80xi32, #tpu.memory_space<hbm>> -> memref<1x128x80xi32, #tpu.memory_space<hbm>>
      %dma_start3A_37 = tpu.memref_squeeze %dma_start3A_36 : memref<1x128x80xi32, #tpu.memory_space<hbm>> -> memref<128x80xi32, #tpu.memory_space<hbm>>
      tpu.enqueue_dma source(%dma_start3A_37 : memref<128x80xi32, #tpu.memory_space<hbm>>) target(%arg8 : memref<128x80xi32, #tpu.memory_space<vmem>>) target_semaphore(%run_scoped3A : memref<!tpu.dma_semaphore, #tpu.memory_space<semaphore_mem>>)
      %dma_wait3A = arith.constant 0 : i32
      %dma_wait3A_38 = arith.constant 0 : i32
      %dma_wait3A_39 = tpu.memref_slice %arg4[%add3A, %dma_wait3A, %dma_wait3A_38] : memref<32x128x80xi32, #tpu.memory_space<hbm>> -> memref<1x128x80xi32, #tpu.memory_space<hbm>>
      %dma_wait3A_40 = tpu.memref_squeeze %dma_wait3A_39 : memref<1x128x80xi32, #tpu.memory_space<hbm>> -> memref<128x80xi32, #tpu.memory_space<hbm>>
      %dma_wait3A_41 = arith.constant 0 : i32
      %dma_wait3A_42 = arith.constant 0 : i32
      %dma_wait3A_43 = tpu.memref_slice %arg4[%add3A, %dma_wait3A_41, %dma_wait3A_42] : memref<32x128x80xi32, #tpu.memory_space<hbm>> -> memref<1x128x80xi32, #tpu.memory_space<hbm>>
      %dma_wait3A_44 = tpu.memref_squeeze %dma_wait3A_43 : memref<1x128x80xi32, #tpu.memory_space<hbm>> -> memref<128x80xi32, #tpu.memory_space<hbm>>
      tpu.wait_dma2 semaphore(%run_scoped3A : memref<!tpu.dma_semaphore, #tpu.memory_space<semaphore_mem>>) src(%dma_wait3A_44 : memref<128x80xi32, #tpu.memory_space<hbm>>) dst(%arg8 : memref<128x80xi32, #tpu.memory_space<vmem>>)
      tpu.yield
    }) : () -> ()
    %barrier3A = arith.constant 0 : index
    tpu.barrier barrier_id(%barrier3A)
    %dma_start3A = arith.constant 0 : i32
    %dma_start3A_8 = arith.constant 0 : i32
    %dma_start3A_9 = arith.constant 0 : i32
    %dma_start3A_10 = tpu.memref_slice %arg9[%dma_start3A, %dma_start3A_8, %dma_start3A_9] : memref<2x80x128xf32, #tpu.memory_space<vmem>> -> memref<1x80x128xf32, #tpu.memory_space<vmem>>
    %dma_start3A_11 = tpu.memref_squeeze %dma_start3A_10 : memref<1x80x128xf32, #tpu.memory_space<vmem>> -> memref<80x128xf32, #tpu.memory_space<vmem>>
    %dma_start3A_12 = arith.constant 0 : i32
    %dma_start3A_13 = tpu.memref_slice %arg7[%dma_start3A_12] : memref<10240xi32, #tpu.memory_space<vmem>> -> memref<80xi32, #tpu.memory_space<vmem>>
    %dma_start3A_14 = arith.constant 0 : i32
    %dma_start3A_15 = arith.constant 0 : i32
    %dma_start3A_16 = tpu.memref_slice %arg2[%dma_start3A_14, %dma_start3A_15] : memref<10000x128xf32, #tpu.memory_space<hbm>> -> memref<10000x128xf32, #tpu.memory_space<hbm>>
    tpu.enqueue_indirect_dma source(%dma_start3A_16 : memref<10000x128xf32, #tpu.memory_space<hbm>>) target(%dma_start3A_11 : memref<80x128xf32, #tpu.memory_space<vmem>>) offsets(%dma_start3A_13 : memref<80xi32, #tpu.memory_space<vmem>>) semaphore(%arg11 : memref<!tpu.dma_semaphore, #tpu.memory_space<semaphore_mem>>)
    %scan3A_17 = arith.constant 0 : i32
    %scan3A_18 = arith.constant 0 : i32
    %scan3A_19 = arith.constant 128 : i32
    %scan3A_20 = arith.addi %scan3A_18, %scan3A_19 : i32
    %scan3A_21 = arith.constant 1 : i32
    scf.for %scan3A_30 = %scan3A_18 to %scan3A_20 step %scan3A_21  : i32 {
      %rem3A = arith.constant 2 : i32
      %rem3A_31 = arith.remsi %scan3A_30, %rem3A : i32
      %add3A_32 = arith.constant 1 : i32
      %add3A_33 = arith.addi %scan3A_30, %add3A_32 : i32
      %lt3A = arith.constant 128 : i32
      %lt3A_34 = arith.cmpi slt, %add3A_33, %lt3A : i32
      %convert_element_type3A = arith.extui %lt3A_34 : i1 to i32
      %cond3A = arith.constant 0 : i32
      %cond3A_35 = arith.cmpi ne, %convert_element_type3A, %cond3A : i32
      scf.if %cond3A_35 {
        %add3A_45 = arith.constant 1 : i32
        %add3A_46 = arith.addi %scan3A_30, %add3A_45 : i32
        %sub3A = arith.constant 1 : i32
        %sub3A_47 = arith.subi %sub3A, %rem3A_31 : i32
        %mul3A_48 = arith.constant 80 : i32
        %mul3A_49 = arith.muli %add3A_46, %mul3A_48 : i32
        %dma_start3A_50 = arith.constant 0 : i32
        %dma_start3A_51 = arith.constant 0 : i32
        %dma_start3A_52 = tpu.memref_slice %arg9[%sub3A_47, %dma_start3A_50, %dma_start3A_51] : memref<2x80x128xf32, #tpu.memory_space<vmem>> -> memref<1x80x128xf32, #tpu.memory_space<vmem>>
        %dma_start3A_53 = tpu.memref_squeeze %dma_start3A_52 : memref<1x80x128xf32, #tpu.memory_space<vmem>> -> memref<80x128xf32, #tpu.memory_space<vmem>>
        %dma_start3A_54 = tpu.memref_slice %arg7[%mul3A_49] : memref<10240xi32, #tpu.memory_space<vmem>> -> memref<80xi32, #tpu.memory_space<vmem>>
        %dma_start3A_55 = arith.constant 0 : i32
        %dma_start3A_56 = arith.constant 0 : i32
        %dma_start3A_57 = tpu.memref_slice %arg2[%dma_start3A_55, %dma_start3A_56] : memref<10000x128xf32, #tpu.memory_space<hbm>> -> memref<10000x128xf32, #tpu.memory_space<hbm>>
        tpu.enqueue_indirect_dma source(%dma_start3A_57 : memref<10000x128xf32, #tpu.memory_space<hbm>>) target(%dma_start3A_53 : memref<80x128xf32, #tpu.memory_space<vmem>>) offsets(%dma_start3A_54 : memref<80xi32, #tpu.memory_space<vmem>>) semaphore(%arg11 : memref<!tpu.dma_semaphore, #tpu.memory_space<semaphore_mem>>)
      } else {
      }
      %mul3A_36 = arith.constant 80 : i32
      %mul3A_37 = arith.muli %scan3A_30, %mul3A_36 : i32
      %dma_wait3A = arith.constant 0 : i32
      %dma_wait3A_38 = arith.constant 0 : i32
      %dma_wait3A_39 = tpu.memref_slice %arg9[%rem3A_31, %dma_wait3A, %dma_wait3A_38] : memref<2x80x128xf32, #tpu.memory_space<vmem>> -> memref<1x80x128xf32, #tpu.memory_space<vmem>>
      %dma_wait3A_40 = tpu.memref_squeeze %dma_wait3A_39 : memref<1x80x128xf32, #tpu.memory_space<vmem>> -> memref<80x128xf32, #tpu.memory_space<vmem>>
      %dma_wait3A_41 = tpu.memref_slice %arg7[%mul3A_37] : memref<10240xi32, #tpu.memory_space<vmem>> -> memref<80xi32, #tpu.memory_space<vmem>>
      %dma_wait3A_42 = arith.constant 0 : i32
      %dma_wait3A_43 = arith.constant 0 : i32
      %dma_wait3A_44 = tpu.memref_slice %arg2[%dma_wait3A_42, %dma_wait3A_43] : memref<10000x128xf32, #tpu.memory_space<hbm>> -> memref<10000x128xf32, #tpu.memory_space<hbm>>
      tpu.wait_indirect_dma semaphore(%arg11 : memref<!tpu.dma_semaphore, #tpu.memory_space<semaphore_mem>>) src(%dma_wait3A_44 : memref<10000x128xf32, #tpu.memory_space<hbm>>) dst(%dma_wait3A_40 : memref<80x128xf32, #tpu.memory_space<vmem>>)
      "tpu.region"() ({
        %run_scoped3A = tpu.sem_alloc : memref<!tpu.dma_semaphore, #tpu.memory_space<semaphore_mem>>
        %dma_start3A_45 = arith.constant 0 : i32
        %dma_start3A_46 = arith.constant 0 : i32
        %dma_start3A_47 = tpu.memref_slice %arg9[%rem3A_31, %dma_start3A_45, %dma_start3A_46] : memref<2x80x128xf32, #tpu.memory_space<vmem>> -> memref<1x80x128xf32, #tpu.memory_space<vmem>>
        %dma_start3A_48 = tpu.memref_squeeze %dma_start3A_47 : memref<1x80x128xf32, #tpu.memory_space<vmem>> -> memref<80x128xf32, #tpu.memory_space<vmem>>
        %dma_start3A_49 = arith.constant 0 : i32
        %dma_start3A_50 = tpu.memref_slice %arg8[%scan3A_30, %dma_start3A_49] : memref<128x80xi32, #tpu.memory_space<vmem>> -> memref<1x80xi32, #tpu.memory_space<vmem>>
        %dma_start3A_51 = tpu.memref_squeeze %dma_start3A_50 : memref<1x80xi32, #tpu.memory_space<vmem>> -> memref<80xi32, #tpu.memory_space<vmem>>
        %dma_start3A_52 = arith.constant 0 : i32
        %dma_start3A_53 = arith.constant 0 : i32
        %dma_start3A_54 = tpu.memref_slice %arg10[%dma_start3A_52, %dma_start3A_53] : memref<10240x128xf32, #tpu.memory_space<vmem_shared>> -> memref<10240x128xf32, #tpu.memory_space<vmem_shared>>
        tpu.enqueue_indirect_dma source(%dma_start3A_48 : memref<80x128xf32, #tpu.memory_space<vmem>>) target(%dma_start3A_54 : memref<10240x128xf32, #tpu.memory_space<vmem_shared>>) offsets(%dma_start3A_51 : memref<80xi32, #tpu.memory_space<vmem>>) semaphore(%run_scoped3A : memref<!tpu.dma_semaphore, #tpu.memory_space<semaphore_mem>>) {add = true}
        %dma_wait3A_55 = arith.constant 0 : i32
        %dma_wait3A_56 = arith.constant 0 : i32
        %dma_wait3A_57 = tpu.memref_slice %arg9[%rem3A_31, %dma_wait3A_55, %dma_wait3A_56] : memref<2x80x128xf32, #tpu.memory_space<vmem>> -> memref<1x80x128xf32, #tpu.memory_space<vmem>>
        %dma_wait3A_58 = tpu.memref_squeeze %dma_wait3A_57 : memref<1x80x128xf32, #tpu.memory_space<vmem>> -> memref<80x128xf32, #tpu.memory_space<vmem>>
        %dma_wait3A_59 = arith.constant 0 : i32
        %dma_wait3A_60 = tpu.memref_slice %arg8[%scan3A_30, %dma_wait3A_59] : memref<128x80xi32, #tpu.memory_space<vmem>> -> memref<1x80xi32, #tpu.memory_space<vmem>>
        %dma_wait3A_61 = tpu.memref_squeeze %dma_wait3A_60 : memref<1x80xi32, #tpu.memory_space<vmem>> -> memref<80xi32, #tpu.memory_space<vmem>>
        %dma_wait3A_62 = arith.constant 0 : i32
        %dma_wait3A_63 = arith.constant 0 : i32
        %dma_wait3A_64 = tpu.memref_slice %arg10[%dma_wait3A_62, %dma_wait3A_63] : memref<10240x128xf32, #tpu.memory_space<vmem_shared>> -> memref<10240x128xf32, #tpu.memory_space<vmem_shared>>
        tpu.wait_indirect_dma semaphore(%run_scoped3A : memref<!tpu.dma_semaphore, #tpu.memory_space<semaphore_mem>>) src(%dma_wait3A_58 : memref<80x128xf32, #tpu.memory_space<vmem>>) dst(%dma_wait3A_64 : memref<10240x128xf32, #tpu.memory_space<vmem_shared>>)
        tpu.yield
      }) : () -> ()
    }
    %scan3A_22 = arith.constant 128 : i32
    %barrier3A_23 = arith.constant 0 : index
    tpu.barrier barrier_id(%barrier3A_23)
    %scan3A_24 = arith.constant 0 : i32
    %scan3A_25 = arith.constant 0 : i32
    %scan3A_26 = arith.constant 8 : i32
    %scan3A_27 = arith.addi %scan3A_25, %scan3A_26 : i32
    %scan3A_28 = arith.constant 1 : i32
    scf.for %scan3A_30 = %scan3A_25 to %scan3A_27 step %scan3A_28  : i32 {
      %mul3A_31 = arith.constant 80 : i32
      %mul3A_32 = arith.muli %scan3A_30, %mul3A_31 : i32
      %add3A_33 = arith.addi %mul3A_2, %mul3A_32 : i32
      "tpu.region"() ({
        %run_scoped3A = tpu.sem_alloc : memref<!tpu.dma_semaphore, #tpu.memory_space<semaphore_mem>>
        %dma_start3A_34 = arith.constant 0 : i32
        %dma_start3A_35 = tpu.memref_slice %arg6[%arg0, %add3A_33, %dma_start3A_34] : memref<2x10240x128xf32, #tpu.memory_space<hbm>> -> memref<1x80x128xf32, #tpu.memory_space<hbm>>
        %dma_start3A_36 = tpu.memref_squeeze %dma_start3A_35 : memref<1x80x128xf32, #tpu.memory_space<hbm>> -> memref<80x128xf32, #tpu.memory_space<hbm>>
        %dma_start3A_37 = arith.constant 0 : i32
        %dma_start3A_38 = tpu.memref_slice %arg10[%add3A_33, %dma_start3A_37] : memref<10240x128xf32, #tpu.memory_space<vmem_shared>> -> memref<80x128xf32, #tpu.memory_space<vmem_shared>>
        tpu.enqueue_dma source(%dma_start3A_38 : memref<80x128xf32, #tpu.memory_space<vmem_shared>>) target(%dma_start3A_36 : memref<80x128xf32, #tpu.memory_space<hbm>>) target_semaphore(%run_scoped3A : memref<!tpu.dma_semaphore, #tpu.memory_space<semaphore_mem>>)
        %dma_wait3A = arith.constant 0 : i32
        %dma_wait3A_39 = tpu.memref_slice %arg6[%arg0, %add3A_33, %dma_wait3A] : memref<2x10240x128xf32, #tpu.memory_space<hbm>> -> memref<1x80x128xf32, #tpu.memory_space<hbm>>
        %dma_wait3A_40 = tpu.memref_squeeze %dma_wait3A_39 : memref<1x80x128xf32, #tpu.memory_space<hbm>> -> memref<80x128xf32, #tpu.memory_space<hbm>>
        %dma_wait3A_41 = arith.constant 0 : i32
        %dma_wait3A_42 = tpu.memref_slice %arg10[%add3A_33, %dma_wait3A_41] : memref<10240x128xf32, #tpu.memory_space<vmem_shared>> -> memref<80x128xf32, #tpu.memory_space<vmem_shared>>
        tpu.wait_dma2 semaphore(%run_scoped3A : memref<!tpu.dma_semaphore, #tpu.memory_space<semaphore_mem>>) src(%dma_wait3A_42 : memref<80x128xf32, #tpu.memory_space<vmem_shared>>) dst(%dma_wait3A_40 : memref<80x128xf32, #tpu.memory_space<hbm>>)
        tpu.yield
      }) : () -> ()
    }
    %scan3A_29 = arith.constant 8 : i32
    return
  }
}

#map = affine_map<(d0, d1) -> (0, 0)>
#map1 = affine_map<(d0, d1) -> (0, 0, 0)>
module attributes {stable_mosaic.version = 14 : i64} {
  func.func @sc_kernel(%arg0: i32, %arg1: i32, %arg2: memref<10000x128xf32, #tpu.memory_space<hbm>>, %arg3: memref<32x10240xi32, #tpu.memory_space<hbm>>, %arg4: memref<32x128x80xi32, #tpu.memory_space<hbm>>, %arg5: memref<2x10240x128xf32, #tpu.memory_space<hbm>>, %arg6: memref<2x10240x128xf32, #tpu.memory_space<hbm>>, %arg7: memref<10240xi32, #tpu.memory_space<vmem>>, %arg8: memref<128x80xi32, #tpu.memory_space<vmem>>, %arg9: memref<2x80x128xf32, #tpu.memory_space<vmem>>, %arg10: memref<10240x128xf32, #tpu.memory_space<vmem_shared>>, %arg11: memref<!tpu.dma_semaphore, #tpu.memory_space<semaphore_mem>>) attributes {dimension_semantics = [#tpu.dimension_semantics<core_parallel>, #tpu.dimension_semantics<subcore_parallel>], iteration_bounds = array<i64: 2, 16>, scalar_prefetch = 0 : i64, scratch_operands = 5 : i64, tpu.core_type = #tpu.core_type<sc_vector_subcore>, window_params = [{transform_indices = #map}, {transform_indices = #map}, {transform_indices = #map1}, {transform_indices = #map1}, {transform_indices = #map1}]} {
    %mul3A = arith.constant 2 : i32
    %mul3A_0 = arith.muli %arg1, %mul3A : i32
    %add3A = arith.addi %mul3A_0, %arg0 : i32
    %mul3A_1 = arith.constant 640 : i32
    %mul3A_2 = arith.muli %arg1, %mul3A_1 : i32
    %scan3A = arith.constant 0 : i32
    %scan3A_3 = arith.constant 0 : i32
    %scan3A_4 = arith.constant 8 : i32
    %scan3A_5 = arith.addi %scan3A_3, %scan3A_4 : i32
    %scan3A_6 = arith.constant 1 : i32
    scf.for %scan3A_30 = %scan3A_3 to %scan3A_5 step %scan3A_6  : i32 {
      %mul3A_31 = arith.constant 80 : i32
      %mul3A_32 = arith.muli %scan3A_30, %mul3A_31 : i32
      %add3A_33 = arith.addi %mul3A_2, %mul3A_32 : i32
      "tpu.region"() ({
        %run_scoped3A = tpu.sem_alloc : memref<!tpu.dma_semaphore, #tpu.memory_space<semaphore_mem>>
        %dma_start3A_34 = arith.constant 0 : i32
        %dma_start3A_35 = tpu.memref_slice %arg10[%add3A_33, %dma_start3A_34] : memref<10240x128xf32, #tpu.memory_space<vmem_shared>> -> memref<80x128xf32, #tpu.memory_space<vmem_shared>>
        %dma_start3A_36 = arith.constant 0 : i32
        %dma_start3A_37 = tpu.memref_slice %arg5[%arg0, %add3A_33, %dma_start3A_36] : memref<2x10240x128xf32, #tpu.memory_space<hbm>> -> memref<1x80x128xf32, #tpu.memory_space<hbm>>
        %dma_start3A_38 = tpu.memref_squeeze %dma_start3A_37 : memref<1x80x128xf32, #tpu.memory_space<hbm>> -> memref<80x128xf32, #tpu.memory_space<hbm>>
        tpu.enqueue_dma source(%dma_start3A_38 : memref<80x128xf32, #tpu.memory_space<hbm>>) target(%dma_start3A_35 : memref<80x128xf32, #tpu.memory_space<vmem_shared>>) target_semaphore(%run_scoped3A : memref<!tpu.dma_semaphore, #tpu.memory_space<semaphore_mem>>)
        %dma_wait3A = arith.constant 0 : i32
        %dma_wait3A_39 = tpu.memref_slice %arg10[%add3A_33, %dma_wait3A] : memref<10240x128xf32, #tpu.memory_space<vmem_shared>> -> memref<80x128xf32, #tpu.memory_space<vmem_shared>>
        %dma_wait3A_40 = arith.constant 0 : i32
        %dma_wait3A_41 = tpu.memref_slice %arg5[%arg0, %add3A_33, %dma_wait3A_40] : memref<2x10240x128xf32, #tpu.memory_space<hbm>> -> memref<1x80x128xf32, #tpu.memory_space<hbm>>
        %dma_wait3A_42 = tpu.memref_squeeze %dma_wait3A_41 : memref<1x80x128xf32, #tpu.memory_space<hbm>> -> memref<80x128xf32, #tpu.memory_space<hbm>>
        tpu.wait_dma2 semaphore(%run_scoped3A : memref<!tpu.dma_semaphore, #tpu.memory_space<semaphore_mem>>) src(%dma_wait3A_42 : memref<80x128xf32, #tpu.memory_space<hbm>>) dst(%dma_wait3A_39 : memref<80x128xf32, #tpu.memory_space<vmem_shared>>)
        tpu.yield
      }) : () -> ()
    }
    %scan3A_7 = arith.constant 8 : i32
    "tpu.region"() ({
      %run_scoped3A = tpu.sem_alloc : memref<!tpu.dma_semaphore, #tpu.memory_space<semaphore_mem>>
      %dma_start3A_30 = arith.constant 0 : i32
      %dma_start3A_31 = tpu.memref_slice %arg3[%add3A, %dma_start3A_30] : memref<32x10240xi32, #tpu.memory_space<hbm>> -> memref<1x10240xi32, #tpu.memory_space<hbm>>
      %dma_start3A_32 = tpu.memref_squeeze %dma_start3A_31 : memref<1x10240xi32, #tpu.memory_space<hbm>> -> memref<10240xi32, #tpu.memory_space<hbm>>
      %dma_start3A_33 = arith.constant 0 : i32
      %dma_start3A_34 = tpu.memref_slice %arg3[%add3A, %dma_start3A_33] : memref<32x10240xi32, #tpu.memory_space<hbm>> -> memref<1x10240xi32, #tpu.memory_space<hbm>>
      %dma_start3A_35 = tpu.memref_squeeze %dma_start3A_34 : memref<1x10240xi32, #tpu.memory_space<hbm>> -> memref<10240xi32, #tpu.memory_space<hbm>>
      tpu.enqueue_dma source(%dma_start3A_35 : memref<10240xi32, #tpu.memory_space<hbm>>) target(%arg7 : memref<10240xi32, #tpu.memory_space<vmem>>) target_semaphore(%run_scoped3A : memref<!tpu.dma_semaphore, #tpu.memory_space<semaphore_mem>>)
      %dma_wait3A = arith.constant 0 : i32
      %dma_wait3A_36 = tpu.memref_slice %arg3[%add3A, %dma_wait3A] : memref<32x10240xi32, #tpu.memory_space<hbm>> -> memref<1x10240xi32, #tpu.memory_space<hbm>>
      %dma_wait3A_37 = tpu.memref_squeeze %dma_wait3A_36 : memref<1x10240xi32, #tpu.memory_space<hbm>> -> memref<10240xi32, #tpu.memory_space<hbm>>
      %dma_wait3A_38 = arith.constant 0 : i32
      %dma_wait3A_39 = tpu.memref_slice %arg3[%add3A, %dma_wait3A_38] : memref<32x10240xi32, #tpu.memory_space<hbm>> -> memref<1x10240xi32, #tpu.memory_space<hbm>>
      %dma_wait3A_40 = tpu.memref_squeeze %dma_wait3A_39 : memref<1x10240xi32, #tpu.memory_space<hbm>> -> memref<10240xi32, #tpu.memory_space<hbm>>
      tpu.wait_dma2 semaphore(%run_scoped3A : memref<!tpu.dma_semaphore, #tpu.memory_space<semaphore_mem>>) src(%dma_wait3A_40 : memref<10240xi32, #tpu.memory_space<hbm>>) dst(%arg7 : memref<10240xi32, #tpu.memory_space<vmem>>)
      tpu.yield
    }) : () -> ()
    "tpu.region"() ({
      %run_scoped3A = tpu.sem_alloc : memref<!tpu.dma_semaphore, #tpu.memory_space<semaphore_mem>>
      %dma_start3A_30 = arith.constant 0 : i32
      %dma_start3A_31 = arith.constant 0 : i32
      %dma_start3A_32 = tpu.memref_slice %arg4[%add3A, %dma_start3A_30, %dma_start3A_31] : memref<32x128x80xi32, #tpu.memory_space<hbm>> -> memref<1x128x80xi32, #tpu.memory_space<hbm>>
      %dma_start3A_33 = tpu.memref_squeeze %dma_start3A_32 : memref<1x128x80xi32, #tpu.memory_space<hbm>> -> memref<128x80xi32, #tpu.memory_space<hbm>>
      %dma_start3A_34 = arith.constant 0 : i32
      %dma_start3A_35 = arith.constant 0 : i32
      %dma_start3A_36 = tpu.memref_slice %arg4[%add3A, %dma_start3A_34, %dma_start3A_35] : memref<32x128x80xi32, #tpu.memory_space<hbm>> -> memref<1x128x80xi32, #tpu.memory_space<hbm>>
      %dma_start3A_37 = tpu.memref_squeeze %dma_start3A_36 : memref<1x128x80xi32, #tpu.memory_space<hbm>> -> memref<128x80xi32, #tpu.memory_space<hbm>>
      tpu.enqueue_dma source(%dma_start3A_37 : memref<128x80xi32, #tpu.memory_space<hbm>>) target(%arg8 : memref<128x80xi32, #tpu.memory_space<vmem>>) target_semaphore(%run_scoped3A : memref<!tpu.dma_semaphore, #tpu.memory_space<semaphore_mem>>)
      %dma_wait3A = arith.constant 0 : i32
      %dma_wait3A_38 = arith.constant 0 : i32
      %dma_wait3A_39 = tpu.memref_slice %arg4[%add3A, %dma_wait3A, %dma_wait3A_38] : memref<32x128x80xi32, #tpu.memory_space<hbm>> -> memref<1x128x80xi32, #tpu.memory_space<hbm>>
      %dma_wait3A_40 = tpu.memref_squeeze %dma_wait3A_39 : memref<1x128x80xi32, #tpu.memory_space<hbm>> -> memref<128x80xi32, #tpu.memory_space<hbm>>
      %dma_wait3A_41 = arith.constant 0 : i32
      %dma_wait3A_42 = arith.constant 0 : i32
      %dma_wait3A_43 = tpu.memref_slice %arg4[%add3A, %dma_wait3A_41, %dma_wait3A_42] : memref<32x128x80xi32, #tpu.memory_space<hbm>> -> memref<1x128x80xi32, #tpu.memory_space<hbm>>
      %dma_wait3A_44 = tpu.memref_squeeze %dma_wait3A_43 : memref<1x128x80xi32, #tpu.memory_space<hbm>> -> memref<128x80xi32, #tpu.memory_space<hbm>>
      tpu.wait_dma2 semaphore(%run_scoped3A : memref<!tpu.dma_semaphore, #tpu.memory_space<semaphore_mem>>) src(%dma_wait3A_44 : memref<128x80xi32, #tpu.memory_space<hbm>>) dst(%arg8 : memref<128x80xi32, #tpu.memory_space<vmem>>)
      tpu.yield
    }) : () -> ()
    %barrier3A = arith.constant 0 : index
    tpu.barrier barrier_id(%barrier3A)
    %dma_start3A = arith.constant 0 : i32
    %dma_start3A_8 = arith.constant 0 : i32
    %dma_start3A_9 = arith.constant 0 : i32
    %dma_start3A_10 = tpu.memref_slice %arg9[%dma_start3A, %dma_start3A_8, %dma_start3A_9] : memref<2x80x128xf32, #tpu.memory_space<vmem>> -> memref<1x80x128xf32, #tpu.memory_space<vmem>>
    %dma_start3A_11 = tpu.memref_squeeze %dma_start3A_10 : memref<1x80x128xf32, #tpu.memory_space<vmem>> -> memref<80x128xf32, #tpu.memory_space<vmem>>
    %dma_start3A_12 = arith.constant 0 : i32
    %dma_start3A_13 = tpu.memref_slice %arg7[%dma_start3A_12] : memref<10240xi32, #tpu.memory_space<vmem>> -> memref<80xi32, #tpu.memory_space<vmem>>
    %dma_start3A_14 = arith.constant 0 : i32
    %dma_start3A_15 = arith.constant 0 : i32
    %dma_start3A_16 = tpu.memref_slice %arg2[%dma_start3A_14, %dma_start3A_15] : memref<10000x128xf32, #tpu.memory_space<hbm>> -> memref<10000x128xf32, #tpu.memory_space<hbm>>
    tpu.enqueue_indirect_dma source(%dma_start3A_16 : memref<10000x128xf32, #tpu.memory_space<hbm>>) target(%dma_start3A_11 : memref<80x128xf32, #tpu.memory_space<vmem>>) offsets(%dma_start3A_13 : memref<80xi32, #tpu.memory_space<vmem>>) semaphore(%arg11 : memref<!tpu.dma_semaphore, #tpu.memory_space<semaphore_mem>>)
    %scan3A_17 = arith.constant 0 : i32
    %scan3A_18 = arith.constant 0 : i32
    %scan3A_19 = arith.constant 128 : i32
    %scan3A_20 = arith.addi %scan3A_18, %scan3A_19 : i32
    %scan3A_21 = arith.constant 1 : i32
    scf.for %scan3A_30 = %scan3A_18 to %scan3A_20 step %scan3A_21  : i32 {
      %rem3A = arith.constant 2 : i32
      %rem3A_31 = arith.remsi %scan3A_30, %rem3A : i32
      %add3A_32 = arith.constant 1 : i32
      %add3A_33 = arith.addi %scan3A_30, %add3A_32 : i32
      %lt3A = arith.constant 128 : i32
      %lt3A_34 = arith.cmpi slt, %add3A_33, %lt3A : i32
      %convert_element_type3A = arith.extui %lt3A_34 : i1 to i32
      %cond3A = arith.constant 0 : i32
      %cond3A_35 = arith.cmpi ne, %convert_element_type3A, %cond3A : i32
      scf.if %cond3A_35 {
        %add3A_45 = arith.constant 1 : i32
        %add3A_46 = arith.addi %scan3A_30, %add3A_45 : i32
        %sub3A = arith.constant 1 : i32
        %sub3A_47 = arith.subi %sub3A, %rem3A_31 : i32
        %mul3A_48 = arith.constant 80 : i32
        %mul3A_49 = arith.muli %add3A_46, %mul3A_48 : i32
        %dma_start3A_50 = arith.constant 0 : i32
        %dma_start3A_51 = arith.constant 0 : i32
        %dma_start3A_52 = tpu.memref_slice %arg9[%sub3A_47, %dma_start3A_50, %dma_start3A_51] : memref<2x80x128xf32, #tpu.memory_space<vmem>> -> memref<1x80x128xf32, #tpu.memory_space<vmem>>
        %dma_start3A_53 = tpu.memref_squeeze %dma_start3A_52 : memref<1x80x128xf32, #tpu.memory_space<vmem>> -> memref<80x128xf32, #tpu.memory_space<vmem>>
        %dma_start3A_54 = tpu.memref_slice %arg7[%mul3A_49] : memref<10240xi32, #tpu.memory_space<vmem>> -> memref<80xi32, #tpu.memory_space<vmem>>
        %dma_start3A_55 = arith.constant 0 : i32
        %dma_start3A_56 = arith.constant 0 : i32
        %dma_start3A_57 = tpu.memref_slice %arg2[%dma_start3A_55, %dma_start3A_56] : memref<10000x128xf32, #tpu.memory_space<hbm>> -> memref<10000x128xf32, #tpu.memory_space<hbm>>
        tpu.enqueue_indirect_dma source(%dma_start3A_57 : memref<10000x128xf32, #tpu.memory_space<hbm>>) target(%dma_start3A_53 : memref<80x128xf32, #tpu.memory_space<vmem>>) offsets(%dma_start3A_54 : memref<80xi32, #tpu.memory_space<vmem>>) semaphore(%arg11 : memref<!tpu.dma_semaphore, #tpu.memory_space<semaphore_mem>>)
      } else {
      }
      %mul3A_36 = arith.constant 80 : i32
      %mul3A_37 = arith.muli %scan3A_30, %mul3A_36 : i32
      %dma_wait3A = arith.constant 0 : i32
      %dma_wait3A_38 = arith.constant 0 : i32
      %dma_wait3A_39 = tpu.memref_slice %arg9[%rem3A_31, %dma_wait3A, %dma_wait3A_38] : memref<2x80x128xf32, #tpu.memory_space<vmem>> -> memref<1x80x128xf32, #tpu.memory_space<vmem>>
      %dma_wait3A_40 = tpu.memref_squeeze %dma_wait3A_39 : memref<1x80x128xf32, #tpu.memory_space<vmem>> -> memref<80x128xf32, #tpu.memory_space<vmem>>
      %dma_wait3A_41 = tpu.memref_slice %arg7[%mul3A_37] : memref<10240xi32, #tpu.memory_space<vmem>> -> memref<80xi32, #tpu.memory_space<vmem>>
      %dma_wait3A_42 = arith.constant 0 : i32
      %dma_wait3A_43 = arith.constant 0 : i32
      %dma_wait3A_44 = tpu.memref_slice %arg2[%dma_wait3A_42, %dma_wait3A_43] : memref<10000x128xf32, #tpu.memory_space<hbm>> -> memref<10000x128xf32, #tpu.memory_space<hbm>>
      tpu.wait_indirect_dma semaphore(%arg11 : memref<!tpu.dma_semaphore, #tpu.memory_space<semaphore_mem>>) src(%dma_wait3A_44 : memref<10000x128xf32, #tpu.memory_space<hbm>>) dst(%dma_wait3A_40 : memref<80x128xf32, #tpu.memory_space<vmem>>)
      "tpu.region"() ({
        %run_scoped3A = tpu.sem_alloc : memref<!tpu.dma_semaphore, #tpu.memory_space<semaphore_mem>>
        %dma_start3A_45 = arith.constant 0 : i32
        %dma_start3A_46 = arith.constant 0 : i32
        %dma_start3A_47 = tpu.memref_slice %arg9[%rem3A_31, %dma_start3A_45, %dma_start3A_46] : memref<2x80x128xf32, #tpu.memory_space<vmem>> -> memref<1x80x128xf32, #tpu.memory_space<vmem>>
        %dma_start3A_48 = tpu.memref_squeeze %dma_start3A_47 : memref<1x80x128xf32, #tpu.memory_space<vmem>> -> memref<80x128xf32, #tpu.memory_space<vmem>>
        %dma_start3A_49 = arith.constant 0 : i32
        %dma_start3A_50 = tpu.memref_slice %arg8[%scan3A_30, %dma_start3A_49] : memref<128x80xi32, #tpu.memory_space<vmem>> -> memref<1x80xi32, #tpu.memory_space<vmem>>
        %dma_start3A_51 = tpu.memref_squeeze %dma_start3A_50 : memref<1x80xi32, #tpu.memory_space<vmem>> -> memref<80xi32, #tpu.memory_space<vmem>>
        %dma_start3A_52 = arith.constant 0 : i32
        %dma_start3A_53 = arith.constant 0 : i32
        %dma_start3A_54 = tpu.memref_slice %arg10[%dma_start3A_52, %dma_start3A_53] : memref<10240x128xf32, #tpu.memory_space<vmem_shared>> -> memref<10240x128xf32, #tpu.memory_space<vmem_shared>>
        tpu.enqueue_indirect_dma source(%dma_start3A_48 : memref<80x128xf32, #tpu.memory_space<vmem>>) target(%dma_start3A_54 : memref<10240x128xf32, #tpu.memory_space<vmem_shared>>) offsets(%dma_start3A_51 : memref<80xi32, #tpu.memory_space<vmem>>) semaphore(%run_scoped3A : memref<!tpu.dma_semaphore, #tpu.memory_space<semaphore_mem>>) {add = true}
        %dma_wait3A_55 = arith.constant 0 : i32
        %dma_wait3A_56 = arith.constant 0 : i32
        %dma_wait3A_57 = tpu.memref_slice %arg9[%rem3A_31, %dma_wait3A_55, %dma_wait3A_56] : memref<2x80x128xf32, #tpu.memory_space<vmem>> -> memref<1x80x128xf32, #tpu.memory_space<vmem>>
        %dma_wait3A_58 = tpu.memref_squeeze %dma_wait3A_57 : memref<1x80x128xf32, #tpu.memory_space<vmem>> -> memref<80x128xf32, #tpu.memory_space<vmem>>
        %dma_wait3A_59 = arith.constant 0 : i32
        %dma_wait3A_60 = tpu.memref_slice %arg8[%scan3A_30, %dma_wait3A_59] : memref<128x80xi32, #tpu.memory_space<vmem>> -> memref<1x80xi32, #tpu.memory_space<vmem>>
        %dma_wait3A_61 = tpu.memref_squeeze %dma_wait3A_60 : memref<1x80xi32, #tpu.memory_space<vmem>> -> memref<80xi32, #tpu.memory_space<vmem>>
        %dma_wait3A_62 = arith.constant 0 : i32
        %dma_wait3A_63 = arith.constant 0 : i32
        %dma_wait3A_64 = tpu.memref_slice %arg10[%dma_wait3A_62, %dma_wait3A_63] : memref<10240x128xf32, #tpu.memory_space<vmem_shared>> -> memref<10240x128xf32, #tpu.memory_space<vmem_shared>>
        tpu.wait_indirect_dma semaphore(%run_scoped3A : memref<!tpu.dma_semaphore, #tpu.memory_space<semaphore_mem>>) src(%dma_wait3A_58 : memref<80x128xf32, #tpu.memory_space<vmem>>) dst(%dma_wait3A_64 : memref<10240x128xf32, #tpu.memory_space<vmem_shared>>)
        tpu.yield
      }) : () -> ()
    }
    %scan3A_22 = arith.constant 128 : i32
    %barrier3A_23 = arith.constant 0 : index
    tpu.barrier barrier_id(%barrier3A_23)
    %scan3A_24 = arith.constant 0 : i32
    %scan3A_25 = arith.constant 0 : i32
    %scan3A_26 = arith.constant 8 : i32
    %scan3A_27 = arith.addi %scan3A_25, %scan3A_26 : i32
    %scan3A_28 = arith.constant 1 : i32
    scf.for %scan3A_30 = %scan3A_25 to %scan3A_27 step %scan3A_28  : i32 {
      %mul3A_31 = arith.constant 80 : i32
      %mul3A_32 = arith.muli %scan3A_30, %mul3A_31 : i32
      %add3A_33 = arith.addi %mul3A_2, %mul3A_32 : i32
      "tpu.region"() ({
        %run_scoped3A = tpu.sem_alloc : memref<!tpu.dma_semaphore, #tpu.memory_space<semaphore_mem>>
        %dma_start3A_34 = arith.constant 0 : i32
        %dma_start3A_35 = tpu.memref_slice %arg6[%arg0, %add3A_33, %dma_start3A_34] : memref<2x10240x128xf32, #tpu.memory_space<hbm>> -> memref<1x80x128xf32, #tpu.memory_space<hbm>>
        %dma_start3A_36 = tpu.memref_squeeze %dma_start3A_35 : memref<1x80x128xf32, #tpu.memory_space<hbm>> -> memref<80x128xf32, #tpu.memory_space<hbm>>
        %dma_start3A_37 = arith.constant 0 : i32
        %dma_start3A_38 = tpu.memref_slice %arg10[%add3A_33, %dma_start3A_37] : memref<10240x128xf32, #tpu.memory_space<vmem_shared>> -> memref<80x128xf32, #tpu.memory_space<vmem_shared>>
        tpu.enqueue_dma source(%dma_start3A_38 : memref<80x128xf32, #tpu.memory_space<vmem_shared>>) target(%dma_start3A_36 : memref<80x128xf32, #tpu.memory_space<hbm>>) target_semaphore(%run_scoped3A : memref<!tpu.dma_semaphore, #tpu.memory_space<semaphore_mem>>)
        %dma_wait3A = arith.constant 0 : i32
        %dma_wait3A_39 = tpu.memref_slice %arg6[%arg0, %add3A_33, %dma_wait3A] : memref<2x10240x128xf32, #tpu.memory_space<hbm>> -> memref<1x80x128xf32, #tpu.memory_space<hbm>>
        %dma_wait3A_40 = tpu.memref_squeeze %dma_wait3A_39 : memref<1x80x128xf32, #tpu.memory_space<hbm>> -> memref<80x128xf32, #tpu.memory_space<hbm>>
        %dma_wait3A_41 = arith.constant 0 : i32
        %dma_wait3A_42 = tpu.memref_slice %arg10[%add3A_33, %dma_wait3A_41] : memref<10240x128xf32, #tpu.memory_space<vmem_shared>> -> memref<80x128xf32, #tpu.memory_space<vmem_shared>>
        tpu.wait_dma2 semaphore(%run_scoped3A : memref<!tpu.dma_semaphore, #tpu.memory_space<semaphore_mem>>) src(%dma_wait3A_42 : memref<80x128xf32, #tpu.memory_space<vmem_shared>>) dst(%dma_wait3A_40 : memref<80x128xf32, #tpu.memory_space<hbm>>)
        tpu.yield
      }) : () -> ()
    }
    %scan3A_29 = arith.constant 8 : i32
    return
  }
}

#map = affine_map<(d0, d1) -> (0)>
#map1 = affine_map<(d0, d1) -> (0, 0)>
#map2 = affine_map<(d0, d1) -> (0, 0, 0)>
module attributes {stable_mosaic.version = 14 : i64} {
  func.func @sc_kernel(%arg0: i32, %arg1: i32, %arg2: memref<10000xf32, #tpu.memory_space<hbm>>, %arg3: memref<32x10240xi32, #tpu.memory_space<hbm>>, %arg4: memref<32x128x80xi32, #tpu.memory_space<hbm>>, %arg5: memref<2x10240xf32, #tpu.memory_space<hbm>>, %arg6: memref<2x10240xf32, #tpu.memory_space<hbm>>, %arg7: memref<10240xi32, #tpu.memory_space<vmem>>, %arg8: memref<128x80xi32, #tpu.memory_space<vmem>>, %arg9: memref<2x80xf32, #tpu.memory_space<vmem>>, %arg10: memref<10240xf32, #tpu.memory_space<vmem_shared>>, %arg11: memref<!tpu.dma_semaphore, #tpu.memory_space<semaphore_mem>>) attributes {dimension_semantics = [#tpu.dimension_semantics<core_parallel>, #tpu.dimension_semantics<subcore_parallel>], iteration_bounds = array<i64: 2, 16>, scalar_prefetch = 0 : i64, scratch_operands = 5 : i64, tpu.core_type = #tpu.core_type<sc_vector_subcore>, window_params = [{transform_indices = #map}, {transform_indices = #map1}, {transform_indices = #map2}, {transform_indices = #map1}, {transform_indices = #map1}]} {
    %mul3A = arith.constant 2 : i32
    %mul3A_0 = arith.muli %arg1, %mul3A : i32
    %add3A = arith.addi %mul3A_0, %arg0 : i32
    %mul3A_1 = arith.constant 640 : i32
    %mul3A_2 = arith.muli %arg1, %mul3A_1 : i32
    "tpu.region"() ({
      %run_scoped3A = tpu.sem_alloc : memref<!tpu.dma_semaphore, #tpu.memory_space<semaphore_mem>>
      %dma_start3A_16 = tpu.memref_slice %arg10[%mul3A_2] : memref<10240xf32, #tpu.memory_space<vmem_shared>> -> memref<640xf32, #tpu.memory_space<vmem_shared>>
      %dma_start3A_17 = tpu.memref_slice %arg5[%arg0, %mul3A_2] : memref<2x10240xf32, #tpu.memory_space<hbm>> -> memref<1x640xf32, #tpu.memory_space<hbm>>
      %dma_start3A_18 = tpu.memref_squeeze %dma_start3A_17 : memref<1x640xf32, #tpu.memory_space<hbm>> -> memref<640xf32, #tpu.memory_space<hbm>>
      tpu.enqueue_dma source(%dma_start3A_18 : memref<640xf32, #tpu.memory_space<hbm>>) target(%dma_start3A_16 : memref<640xf32, #tpu.memory_space<vmem_shared>>) target_semaphore(%run_scoped3A : memref<!tpu.dma_semaphore, #tpu.memory_space<semaphore_mem>>)
      %dma_wait3A = tpu.memref_slice %arg10[%mul3A_2] : memref<10240xf32, #tpu.memory_space<vmem_shared>> -> memref<640xf32, #tpu.memory_space<vmem_shared>>
      %dma_wait3A_19 = tpu.memref_slice %arg5[%arg0, %mul3A_2] : memref<2x10240xf32, #tpu.memory_space<hbm>> -> memref<1x640xf32, #tpu.memory_space<hbm>>
      %dma_wait3A_20 = tpu.memref_squeeze %dma_wait3A_19 : memref<1x640xf32, #tpu.memory_space<hbm>> -> memref<640xf32, #tpu.memory_space<hbm>>
      tpu.wait_dma2 semaphore(%run_scoped3A : memref<!tpu.dma_semaphore, #tpu.memory_space<semaphore_mem>>) src(%dma_wait3A_20 : memref<640xf32, #tpu.memory_space<hbm>>) dst(%dma_wait3A : memref<640xf32, #tpu.memory_space<vmem_shared>>)
      tpu.yield
    }) : () -> ()
    "tpu.region"() ({
      %run_scoped3A = tpu.sem_alloc : memref<!tpu.dma_semaphore, #tpu.memory_space<semaphore_mem>>
      %dma_start3A_16 = arith.constant 0 : i32
      %dma_start3A_17 = tpu.memref_slice %arg3[%add3A, %dma_start3A_16] : memref<32x10240xi32, #tpu.memory_space<hbm>> -> memref<1x10240xi32, #tpu.memory_space<hbm>>
      %dma_start3A_18 = tpu.memref_squeeze %dma_start3A_17 : memref<1x10240xi32, #tpu.memory_space<hbm>> -> memref<10240xi32, #tpu.memory_space<hbm>>
      %dma_start3A_19 = arith.constant 0 : i32
      %dma_start3A_20 = tpu.memref_slice %arg3[%add3A, %dma_start3A_19] : memref<32x10240xi32, #tpu.memory_space<hbm>> -> memref<1x10240xi32, #tpu.memory_space<hbm>>
      %dma_start3A_21 = tpu.memref_squeeze %dma_start3A_20 : memref<1x10240xi32, #tpu.memory_space<hbm>> -> memref<10240xi32, #tpu.memory_space<hbm>>
      tpu.enqueue_dma source(%dma_start3A_21 : memref<10240xi32, #tpu.memory_space<hbm>>) target(%arg7 : memref<10240xi32, #tpu.memory_space<vmem>>) target_semaphore(%run_scoped3A : memref<!tpu.dma_semaphore, #tpu.memory_space<semaphore_mem>>)
      %dma_wait3A = arith.constant 0 : i32
      %dma_wait3A_22 = tpu.memref_slice %arg3[%add3A, %dma_wait3A] : memref<32x10240xi32, #tpu.memory_space<hbm>> -> memref<1x10240xi32, #tpu.memory_space<hbm>>
      %dma_wait3A_23 = tpu.memref_squeeze %dma_wait3A_22 : memref<1x10240xi32, #tpu.memory_space<hbm>> -> memref<10240xi32, #tpu.memory_space<hbm>>
      %dma_wait3A_24 = arith.constant 0 : i32
      %dma_wait3A_25 = tpu.memref_slice %arg3[%add3A, %dma_wait3A_24] : memref<32x10240xi32, #tpu.memory_space<hbm>> -> memref<1x10240xi32, #tpu.memory_space<hbm>>
      %dma_wait3A_26 = tpu.memref_squeeze %dma_wait3A_25 : memref<1x10240xi32, #tpu.memory_space<hbm>> -> memref<10240xi32, #tpu.memory_space<hbm>>
      tpu.wait_dma2 semaphore(%run_scoped3A : memref<!tpu.dma_semaphore, #tpu.memory_space<semaphore_mem>>) src(%dma_wait3A_26 : memref<10240xi32, #tpu.memory_space<hbm>>) dst(%arg7 : memref<10240xi32, #tpu.memory_space<vmem>>)
      tpu.yield
    }) : () -> ()
    "tpu.region"() ({
      %run_scoped3A = tpu.sem_alloc : memref<!tpu.dma_semaphore, #tpu.memory_space<semaphore_mem>>
      %dma_start3A_16 = arith.constant 0 : i32
      %dma_start3A_17 = arith.constant 0 : i32
      %dma_start3A_18 = tpu.memref_slice %arg4[%add3A, %dma_start3A_16, %dma_start3A_17] : memref<32x128x80xi32, #tpu.memory_space<hbm>> -> memref<1x128x80xi32, #tpu.memory_space<hbm>>
      %dma_start3A_19 = tpu.memref_squeeze %dma_start3A_18 : memref<1x128x80xi32, #tpu.memory_space<hbm>> -> memref<128x80xi32, #tpu.memory_space<hbm>>
      %dma_start3A_20 = arith.constant 0 : i32
      %dma_start3A_21 = arith.constant 0 : i32
      %dma_start3A_22 = tpu.memref_slice %arg4[%add3A, %dma_start3A_20, %dma_start3A_21] : memref<32x128x80xi32, #tpu.memory_space<hbm>> -> memref<1x128x80xi32, #tpu.memory_space<hbm>>
      %dma_start3A_23 = tpu.memref_squeeze %dma_start3A_22 : memref<1x128x80xi32, #tpu.memory_space<hbm>> -> memref<128x80xi32, #tpu.memory_space<hbm>>
      tpu.enqueue_dma source(%dma_start3A_23 : memref<128x80xi32, #tpu.memory_space<hbm>>) target(%arg8 : memref<128x80xi32, #tpu.memory_space<vmem>>) target_semaphore(%run_scoped3A : memref<!tpu.dma_semaphore, #tpu.memory_space<semaphore_mem>>)
      %dma_wait3A = arith.constant 0 : i32
      %dma_wait3A_24 = arith.constant 0 : i32
      %dma_wait3A_25 = tpu.memref_slice %arg4[%add3A, %dma_wait3A, %dma_wait3A_24] : memref<32x128x80xi32, #tpu.memory_space<hbm>> -> memref<1x128x80xi32, #tpu.memory_space<hbm>>
      %dma_wait3A_26 = tpu.memref_squeeze %dma_wait3A_25 : memref<1x128x80xi32, #tpu.memory_space<hbm>> -> memref<128x80xi32, #tpu.memory_space<hbm>>
      %dma_wait3A_27 = arith.constant 0 : i32
      %dma_wait3A_28 = arith.constant 0 : i32
      %dma_wait3A_29 = tpu.memref_slice %arg4[%add3A, %dma_wait3A_27, %dma_wait3A_28] : memref<32x128x80xi32, #tpu.memory_space<hbm>> -> memref<1x128x80xi32, #tpu.memory_space<hbm>>
      %dma_wait3A_30 = tpu.memref_squeeze %dma_wait3A_29 : memref<1x128x80xi32, #tpu.memory_space<hbm>> -> memref<128x80xi32, #tpu.memory_space<hbm>>
      tpu.wait_dma2 semaphore(%run_scoped3A : memref<!tpu.dma_semaphore, #tpu.memory_space<semaphore_mem>>) src(%dma_wait3A_30 : memref<128x80xi32, #tpu.memory_space<hbm>>) dst(%arg8 : memref<128x80xi32, #tpu.memory_space<vmem>>)
      tpu.yield
    }) : () -> ()
    %barrier3A = arith.constant 0 : index
    tpu.barrier barrier_id(%barrier3A)
    %dma_start3A = arith.constant 0 : i32
    %dma_start3A_3 = arith.constant 0 : i32
    %dma_start3A_4 = tpu.memref_slice %arg9[%dma_start3A, %dma_start3A_3] : memref<2x80xf32, #tpu.memory_space<vmem>> -> memref<1x80xf32, #tpu.memory_space<vmem>>
    %dma_start3A_5 = tpu.memref_squeeze %dma_start3A_4 : memref<1x80xf32, #tpu.memory_space<vmem>> -> memref<80xf32, #tpu.memory_space<vmem>>
    %dma_start3A_6 = arith.constant 0 : i32
    %dma_start3A_7 = tpu.memref_slice %arg7[%dma_start3A_6] : memref<10240xi32, #tpu.memory_space<vmem>> -> memref<80xi32, #tpu.memory_space<vmem>>
    %dma_start3A_8 = arith.constant 0 : i32
    %dma_start3A_9 = tpu.memref_slice %arg2[%dma_start3A_8] : memref<10000xf32, #tpu.memory_space<hbm>> -> memref<10000xf32, #tpu.memory_space<hbm>>
    tpu.enqueue_indirect_dma source(%dma_start3A_9 : memref<10000xf32, #tpu.memory_space<hbm>>) target(%dma_start3A_5 : memref<80xf32, #tpu.memory_space<vmem>>) offsets(%dma_start3A_7 : memref<80xi32, #tpu.memory_space<vmem>>) semaphore(%arg11 : memref<!tpu.dma_semaphore, #tpu.memory_space<semaphore_mem>>)
    %scan3A = arith.constant 0 : i32
    %scan3A_10 = arith.constant 0 : i32
    %scan3A_11 = arith.constant 128 : i32
    %scan3A_12 = arith.addi %scan3A_10, %scan3A_11 : i32
    %scan3A_13 = arith.constant 1 : i32
    scf.for %scan3A_16 = %scan3A_10 to %scan3A_12 step %scan3A_13  : i32 {
      %rem3A = arith.constant 2 : i32
      %rem3A_17 = arith.remsi %scan3A_16, %rem3A : i32
      %add3A_18 = arith.constant 1 : i32
      %add3A_19 = arith.addi %scan3A_16, %add3A_18 : i32
      %lt3A = arith.constant 128 : i32
      %lt3A_20 = arith.cmpi slt, %add3A_19, %lt3A : i32
      %convert_element_type3A = arith.extui %lt3A_20 : i1 to i32
      %cond3A = arith.constant 0 : i32
      %cond3A_21 = arith.cmpi ne, %convert_element_type3A, %cond3A : i32
      scf.if %cond3A_21 {
        %add3A_29 = arith.constant 1 : i32
        %add3A_30 = arith.addi %scan3A_16, %add3A_29 : i32
        %sub3A = arith.constant 1 : i32
        %sub3A_31 = arith.subi %sub3A, %rem3A_17 : i32
        %mul3A_32 = arith.constant 80 : i32
        %mul3A_33 = arith.muli %add3A_30, %mul3A_32 : i32
        %dma_start3A_34 = arith.constant 0 : i32
        %dma_start3A_35 = tpu.memref_slice %arg9[%sub3A_31, %dma_start3A_34] : memref<2x80xf32, #tpu.memory_space<vmem>> -> memref<1x80xf32, #tpu.memory_space<vmem>>
        %dma_start3A_36 = tpu.memref_squeeze %dma_start3A_35 : memref<1x80xf32, #tpu.memory_space<vmem>> -> memref<80xf32, #tpu.memory_space<vmem>>
        %dma_start3A_37 = tpu.memref_slice %arg7[%mul3A_33] : memref<10240xi32, #tpu.memory_space<vmem>> -> memref<80xi32, #tpu.memory_space<vmem>>
        %dma_start3A_38 = arith.constant 0 : i32
        %dma_start3A_39 = tpu.memref_slice %arg2[%dma_start3A_38] : memref<10000xf32, #tpu.memory_space<hbm>> -> memref<10000xf32, #tpu.memory_space<hbm>>
        tpu.enqueue_indirect_dma source(%dma_start3A_39 : memref<10000xf32, #tpu.memory_space<hbm>>) target(%dma_start3A_36 : memref<80xf32, #tpu.memory_space<vmem>>) offsets(%dma_start3A_37 : memref<80xi32, #tpu.memory_space<vmem>>) semaphore(%arg11 : memref<!tpu.dma_semaphore, #tpu.memory_space<semaphore_mem>>)
      } else {
      }
      %mul3A_22 = arith.constant 80 : i32
      %mul3A_23 = arith.muli %scan3A_16, %mul3A_22 : i32
      %dma_wait3A = arith.constant 0 : i32
      %dma_wait3A_24 = tpu.memref_slice %arg9[%rem3A_17, %dma_wait3A] : memref<2x80xf32, #tpu.memory_space<vmem>> -> memref<1x80xf32, #tpu.memory_space<vmem>>
      %dma_wait3A_25 = tpu.memref_squeeze %dma_wait3A_24 : memref<1x80xf32, #tpu.memory_space<vmem>> -> memref<80xf32, #tpu.memory_space<vmem>>
      %dma_wait3A_26 = tpu.memref_slice %arg7[%mul3A_23] : memref<10240xi32, #tpu.memory_space<vmem>> -> memref<80xi32, #tpu.memory_space<vmem>>
      %dma_wait3A_27 = arith.constant 0 : i32
      %dma_wait3A_28 = tpu.memref_slice %arg2[%dma_wait3A_27] : memref<10000xf32, #tpu.memory_space<hbm>> -> memref<10000xf32, #tpu.memory_space<hbm>>
      tpu.wait_indirect_dma semaphore(%arg11 : memref<!tpu.dma_semaphore, #tpu.memory_space<semaphore_mem>>) src(%dma_wait3A_28 : memref<10000xf32, #tpu.memory_space<hbm>>) dst(%dma_wait3A_25 : memref<80xf32, #tpu.memory_space<vmem>>)
      "tpu.region"() ({
        %run_scoped3A = tpu.sem_alloc : memref<!tpu.dma_semaphore, #tpu.memory_space<semaphore_mem>>
        %dma_start3A_29 = arith.constant 0 : i32
        %dma_start3A_30 = tpu.memref_slice %arg9[%rem3A_17, %dma_start3A_29] : memref<2x80xf32, #tpu.memory_space<vmem>> -> memref<1x80xf32, #tpu.memory_space<vmem>>
        %dma_start3A_31 = tpu.memref_squeeze %dma_start3A_30 : memref<1x80xf32, #tpu.memory_space<vmem>> -> memref<80xf32, #tpu.memory_space<vmem>>
        %dma_start3A_32 = arith.constant 0 : i32
        %dma_start3A_33 = tpu.memref_slice %arg8[%scan3A_16, %dma_start3A_32] : memref<128x80xi32, #tpu.memory_space<vmem>> -> memref<1x80xi32, #tpu.memory_space<vmem>>
        %dma_start3A_34 = tpu.memref_squeeze %dma_start3A_33 : memref<1x80xi32, #tpu.memory_space<vmem>> -> memref<80xi32, #tpu.memory_space<vmem>>
        %dma_start3A_35 = arith.constant 0 : i32
        %dma_start3A_36 = tpu.memref_slice %arg10[%dma_start3A_35] : memref<10240xf32, #tpu.memory_space<vmem_shared>> -> memref<10240xf32, #tpu.memory_space<vmem_shared>>
        tpu.enqueue_indirect_dma source(%dma_start3A_31 : memref<80xf32, #tpu.memory_space<vmem>>) target(%dma_start3A_36 : memref<10240xf32, #tpu.memory_space<vmem_shared>>) offsets(%dma_start3A_34 : memref<80xi32, #tpu.memory_space<vmem>>) semaphore(%run_scoped3A : memref<!tpu.dma_semaphore, #tpu.memory_space<semaphore_mem>>) {add = true}
        %dma_wait3A_37 = arith.constant 0 : i32
        %dma_wait3A_38 = tpu.memref_slice %arg9[%rem3A_17, %dma_wait3A_37] : memref<2x80xf32, #tpu.memory_space<vmem>> -> memref<1x80xf32, #tpu.memory_space<vmem>>
        %dma_wait3A_39 = tpu.memref_squeeze %dma_wait3A_38 : memref<1x80xf32, #tpu.memory_space<vmem>> -> memref<80xf32, #tpu.memory_space<vmem>>
        %dma_wait3A_40 = arith.constant 0 : i32
        %dma_wait3A_41 = tpu.memref_slice %arg8[%scan3A_16, %dma_wait3A_40] : memref<128x80xi32, #tpu.memory_space<vmem>> -> memref<1x80xi32, #tpu.memory_space<vmem>>
        %dma_wait3A_42 = tpu.memref_squeeze %dma_wait3A_41 : memref<1x80xi32, #tpu.memory_space<vmem>> -> memref<80xi32, #tpu.memory_space<vmem>>
        %dma_wait3A_43 = arith.constant 0 : i32
        %dma_wait3A_44 = tpu.memref_slice %arg10[%dma_wait3A_43] : memref<10240xf32, #tpu.memory_space<vmem_shared>> -> memref<10240xf32, #tpu.memory_space<vmem_shared>>
        tpu.wait_indirect_dma semaphore(%run_scoped3A : memref<!tpu.dma_semaphore, #tpu.memory_space<semaphore_mem>>) src(%dma_wait3A_39 : memref<80xf32, #tpu.memory_space<vmem>>) dst(%dma_wait3A_44 : memref<10240xf32, #tpu.memory_space<vmem_shared>>)
        tpu.yield
      }) : () -> ()
    }
    %scan3A_14 = arith.constant 128 : i32
    %barrier3A_15 = arith.constant 0 : index
    tpu.barrier barrier_id(%barrier3A_15)
    "tpu.region"() ({
      %run_scoped3A = tpu.sem_alloc : memref<!tpu.dma_semaphore, #tpu.memory_space<semaphore_mem>>
      %dma_start3A_16 = tpu.memref_slice %arg6[%arg0, %mul3A_2] : memref<2x10240xf32, #tpu.memory_space<hbm>> -> memref<1x640xf32, #tpu.memory_space<hbm>>
      %dma_start3A_17 = tpu.memref_squeeze %dma_start3A_16 : memref<1x640xf32, #tpu.memory_space<hbm>> -> memref<640xf32, #tpu.memory_space<hbm>>
      %dma_start3A_18 = tpu.memref_slice %arg10[%mul3A_2] : memref<10240xf32, #tpu.memory_space<vmem_shared>> -> memref<640xf32, #tpu.memory_space<vmem_shared>>
      tpu.enqueue_dma source(%dma_start3A_18 : memref<640xf32, #tpu.memory_space<vmem_shared>>) target(%dma_start3A_17 : memref<640xf32, #tpu.memory_space<hbm>>) target_semaphore(%run_scoped3A : memref<!tpu.dma_semaphore, #tpu.memory_space<semaphore_mem>>)
      %dma_wait3A = tpu.memref_slice %arg6[%arg0, %mul3A_2] : memref<2x10240xf32, #tpu.memory_space<hbm>> -> memref<1x640xf32, #tpu.memory_space<hbm>>
      %dma_wait3A_19 = tpu.memref_squeeze %dma_wait3A : memref<1x640xf32, #tpu.memory_space<hbm>> -> memref<640xf32, #tpu.memory_space<hbm>>
      %dma_wait3A_20 = tpu.memref_slice %arg10[%mul3A_2] : memref<10240xf32, #tpu.memory_space<vmem_shared>> -> memref<640xf32, #tpu.memory_space<vmem_shared>>
      tpu.wait_dma2 semaphore(%run_scoped3A : memref<!tpu.dma_semaphore, #tpu.memory_space<semaphore_mem>>) src(%dma_wait3A_20 : memref<640xf32, #tpu.memory_space<vmem_shared>>) dst(%dma_wait3A_19 : memref<640xf32, #tpu.memory_space<hbm>>)
      tpu.yield
    }) : () -> ()
    return
  }
}

#map = affine_map<(d0, d1) -> (0, 0)>
#map1 = affine_map<(d0, d1) -> (0, 0, 0)>
module attributes {stable_mosaic.version = 14 : i64} {
  func.func @sc_kernel(%arg0: i32, %arg1: i32, %arg2: memref<10000x128xf32, #tpu.memory_space<hbm>>, %arg3: memref<32x10240xi32, #tpu.memory_space<hbm>>, %arg4: memref<32x128x80xi32, #tpu.memory_space<hbm>>, %arg5: memref<2x10240x128xf32, #tpu.memory_space<hbm>>, %arg6: memref<2x10240x128xf32, #tpu.memory_space<hbm>>, %arg7: memref<10240xi32, #tpu.memory_space<vmem>>, %arg8: memref<128x80xi32, #tpu.memory_space<vmem>>, %arg9: memref<2x80x128xf32, #tpu.memory_space<vmem>>, %arg10: memref<10240x128xf32, #tpu.memory_space<vmem_shared>>, %arg11: memref<!tpu.dma_semaphore, #tpu.memory_space<semaphore_mem>>) attributes {dimension_semantics = [#tpu.dimension_semantics<core_parallel>, #tpu.dimension_semantics<subcore_parallel>], iteration_bounds = array<i64: 2, 16>, scalar_prefetch = 0 : i64, scratch_operands = 5 : i64, tpu.core_type = #tpu.core_type<sc_vector_subcore>, window_params = [{transform_indices = #map}, {transform_indices = #map}, {transform_indices = #map1}, {transform_indices = #map1}, {transform_indices = #map1}]} {
    %mul3A = arith.constant 2 : i32
    %mul3A_0 = arith.muli %arg1, %mul3A : i32
    %add3A = arith.addi %mul3A_0, %arg0 : i32
    %mul3A_1 = arith.constant 640 : i32
    %mul3A_2 = arith.muli %arg1, %mul3A_1 : i32
    %scan3A = arith.constant 0 : i32
    %scan3A_3 = arith.constant 0 : i32
    %scan3A_4 = arith.constant 8 : i32
    %scan3A_5 = arith.addi %scan3A_3, %scan3A_4 : i32
    %scan3A_6 = arith.constant 1 : i32
    scf.for %scan3A_30 = %scan3A_3 to %scan3A_5 step %scan3A_6  : i32 {
      %mul3A_31 = arith.constant 80 : i32
      %mul3A_32 = arith.muli %scan3A_30, %mul3A_31 : i32
      %add3A_33 = arith.addi %mul3A_2, %mul3A_32 : i32
      "tpu.region"() ({
        %run_scoped3A = tpu.sem_alloc : memref<!tpu.dma_semaphore, #tpu.memory_space<semaphore_mem>>
        %dma_start3A_34 = arith.constant 0 : i32
        %dma_start3A_35 = tpu.memref_slice %arg10[%add3A_33, %dma_start3A_34] : memref<10240x128xf32, #tpu.memory_space<vmem_shared>> -> memref<80x128xf32, #tpu.memory_space<vmem_shared>>
        %dma_start3A_36 = arith.constant 0 : i32
        %dma_start3A_37 = tpu.memref_slice %arg5[%arg0, %add3A_33, %dma_start3A_36] : memref<2x10240x128xf32, #tpu.memory_space<hbm>> -> memref<1x80x128xf32, #tpu.memory_space<hbm>>
        %dma_start3A_38 = tpu.memref_squeeze %dma_start3A_37 : memref<1x80x128xf32, #tpu.memory_space<hbm>> -> memref<80x128xf32, #tpu.memory_space<hbm>>
        tpu.enqueue_dma source(%dma_start3A_38 : memref<80x128xf32, #tpu.memory_space<hbm>>) target(%dma_start3A_35 : memref<80x128xf32, #tpu.memory_space<vmem_shared>>) target_semaphore(%run_scoped3A : memref<!tpu.dma_semaphore, #tpu.memory_space<semaphore_mem>>)
        %dma_wait3A = arith.constant 0 : i32
        %dma_wait3A_39 = tpu.memref_slice %arg10[%add3A_33, %dma_wait3A] : memref<10240x128xf32, #tpu.memory_space<vmem_shared>> -> memref<80x128xf32, #tpu.memory_space<vmem_shared>>
        %dma_wait3A_40 = arith.constant 0 : i32
        %dma_wait3A_41 = tpu.memref_slice %arg5[%arg0, %add3A_33, %dma_wait3A_40] : memref<2x10240x128xf32, #tpu.memory_space<hbm>> -> memref<1x80x128xf32, #tpu.memory_space<hbm>>
        %dma_wait3A_42 = tpu.memref_squeeze %dma_wait3A_41 : memref<1x80x128xf32, #tpu.memory_space<hbm>> -> memref<80x128xf32, #tpu.memory_space<hbm>>
        tpu.wait_dma2 semaphore(%run_scoped3A : memref<!tpu.dma_semaphore, #tpu.memory_space<semaphore_mem>>) src(%dma_wait3A_42 : memref<80x128xf32, #tpu.memory_space<hbm>>) dst(%dma_wait3A_39 : memref<80x128xf32, #tpu.memory_space<vmem_shared>>)
        tpu.yield
      }) : () -> ()
    }
    %scan3A_7 = arith.constant 8 : i32
    "tpu.region"() ({
      %run_scoped3A = tpu.sem_alloc : memref<!tpu.dma_semaphore, #tpu.memory_space<semaphore_mem>>
      %dma_start3A_30 = arith.constant 0 : i32
      %dma_start3A_31 = tpu.memref_slice %arg3[%add3A, %dma_start3A_30] : memref<32x10240xi32, #tpu.memory_space<hbm>> -> memref<1x10240xi32, #tpu.memory_space<hbm>>
      %dma_start3A_32 = tpu.memref_squeeze %dma_start3A_31 : memref<1x10240xi32, #tpu.memory_space<hbm>> -> memref<10240xi32, #tpu.memory_space<hbm>>
      %dma_start3A_33 = arith.constant 0 : i32
      %dma_start3A_34 = tpu.memref_slice %arg3[%add3A, %dma_start3A_33] : memref<32x10240xi32, #tpu.memory_space<hbm>> -> memref<1x10240xi32, #tpu.memory_space<hbm>>
      %dma_start3A_35 = tpu.memref_squeeze %dma_start3A_34 : memref<1x10240xi32, #tpu.memory_space<hbm>> -> memref<10240xi32, #tpu.memory_space<hbm>>
      tpu.enqueue_dma source(%dma_start3A_35 : memref<10240xi32, #tpu.memory_space<hbm>>) target(%arg7 : memref<10240xi32, #tpu.memory_space<vmem>>) target_semaphore(%run_scoped3A : memref<!tpu.dma_semaphore, #tpu.memory_space<semaphore_mem>>)
      %dma_wait3A = arith.constant 0 : i32
      %dma_wait3A_36 = tpu.memref_slice %arg3[%add3A, %dma_wait3A] : memref<32x10240xi32, #tpu.memory_space<hbm>> -> memref<1x10240xi32, #tpu.memory_space<hbm>>
      %dma_wait3A_37 = tpu.memref_squeeze %dma_wait3A_36 : memref<1x10240xi32, #tpu.memory_space<hbm>> -> memref<10240xi32, #tpu.memory_space<hbm>>
      %dma_wait3A_38 = arith.constant 0 : i32
      %dma_wait3A_39 = tpu.memref_slice %arg3[%add3A, %dma_wait3A_38] : memref<32x10240xi32, #tpu.memory_space<hbm>> -> memref<1x10240xi32, #tpu.memory_space<hbm>>
      %dma_wait3A_40 = tpu.memref_squeeze %dma_wait3A_39 : memref<1x10240xi32, #tpu.memory_space<hbm>> -> memref<10240xi32, #tpu.memory_space<hbm>>
      tpu.wait_dma2 semaphore(%run_scoped3A : memref<!tpu.dma_semaphore, #tpu.memory_space<semaphore_mem>>) src(%dma_wait3A_40 : memref<10240xi32, #tpu.memory_space<hbm>>) dst(%arg7 : memref<10240xi32, #tpu.memory_space<vmem>>)
      tpu.yield
    }) : () -> ()
    "tpu.region"() ({
      %run_scoped3A = tpu.sem_alloc : memref<!tpu.dma_semaphore, #tpu.memory_space<semaphore_mem>>
      %dma_start3A_30 = arith.constant 0 : i32
      %dma_start3A_31 = arith.constant 0 : i32
      %dma_start3A_32 = tpu.memref_slice %arg4[%add3A, %dma_start3A_30, %dma_start3A_31] : memref<32x128x80xi32, #tpu.memory_space<hbm>> -> memref<1x128x80xi32, #tpu.memory_space<hbm>>
      %dma_start3A_33 = tpu.memref_squeeze %dma_start3A_32 : memref<1x128x80xi32, #tpu.memory_space<hbm>> -> memref<128x80xi32, #tpu.memory_space<hbm>>
      %dma_start3A_34 = arith.constant 0 : i32
      %dma_start3A_35 = arith.constant 0 : i32
      %dma_start3A_36 = tpu.memref_slice %arg4[%add3A, %dma_start3A_34, %dma_start3A_35] : memref<32x128x80xi32, #tpu.memory_space<hbm>> -> memref<1x128x80xi32, #tpu.memory_space<hbm>>
      %dma_start3A_37 = tpu.memref_squeeze %dma_start3A_36 : memref<1x128x80xi32, #tpu.memory_space<hbm>> -> memref<128x80xi32, #tpu.memory_space<hbm>>
      tpu.enqueue_dma source(%dma_start3A_37 : memref<128x80xi32, #tpu.memory_space<hbm>>) target(%arg8 : memref<128x80xi32, #tpu.memory_space<vmem>>) target_semaphore(%run_scoped3A : memref<!tpu.dma_semaphore, #tpu.memory_space<semaphore_mem>>)
      %dma_wait3A = arith.constant 0 : i32
      %dma_wait3A_38 = arith.constant 0 : i32
      %dma_wait3A_39 = tpu.memref_slice %arg4[%add3A, %dma_wait3A, %dma_wait3A_38] : memref<32x128x80xi32, #tpu.memory_space<hbm>> -> memref<1x128x80xi32, #tpu.memory_space<hbm>>
      %dma_wait3A_40 = tpu.memref_squeeze %dma_wait3A_39 : memref<1x128x80xi32, #tpu.memory_space<hbm>> -> memref<128x80xi32, #tpu.memory_space<hbm>>
      %dma_wait3A_41 = arith.constant 0 : i32
      %dma_wait3A_42 = arith.constant 0 : i32
      %dma_wait3A_43 = tpu.memref_slice %arg4[%add3A, %dma_wait3A_41, %dma_wait3A_42] : memref<32x128x80xi32, #tpu.memory_space<hbm>> -> memref<1x128x80xi32, #tpu.memory_space<hbm>>
      %dma_wait3A_44 = tpu.memref_squeeze %dma_wait3A_43 : memref<1x128x80xi32, #tpu.memory_space<hbm>> -> memref<128x80xi32, #tpu.memory_space<hbm>>
      tpu.wait_dma2 semaphore(%run_scoped3A : memref<!tpu.dma_semaphore, #tpu.memory_space<semaphore_mem>>) src(%dma_wait3A_44 : memref<128x80xi32, #tpu.memory_space<hbm>>) dst(%arg8 : memref<128x80xi32, #tpu.memory_space<vmem>>)
      tpu.yield
    }) : () -> ()
    %barrier3A = arith.constant 0 : index
    tpu.barrier barrier_id(%barrier3A)
    %dma_start3A = arith.constant 0 : i32
    %dma_start3A_8 = arith.constant 0 : i32
    %dma_start3A_9 = arith.constant 0 : i32
    %dma_start3A_10 = tpu.memref_slice %arg9[%dma_start3A, %dma_start3A_8, %dma_start3A_9] : memref<2x80x128xf32, #tpu.memory_space<vmem>> -> memref<1x80x128xf32, #tpu.memory_space<vmem>>
    %dma_start3A_11 = tpu.memref_squeeze %dma_start3A_10 : memref<1x80x128xf32, #tpu.memory_space<vmem>> -> memref<80x128xf32, #tpu.memory_space<vmem>>
    %dma_start3A_12 = arith.constant 0 : i32
    %dma_start3A_13 = tpu.memref_slice %arg7[%dma_start3A_12] : memref<10240xi32, #tpu.memory_space<vmem>> -> memref<80xi32, #tpu.memory_space<vmem>>
    %dma_start3A_14 = arith.constant 0 : i32
    %dma_start3A_15 = arith.constant 0 : i32
    %dma_start3A_16 = tpu.memref_slice %arg2[%dma_start3A_14, %dma_start3A_15] : memref<10000x128xf32, #tpu.memory_space<hbm>> -> memref<10000x128xf32, #tpu.memory_space<hbm>>
    tpu.enqueue_indirect_dma source(%dma_start3A_16 : memref<10000x128xf32, #tpu.memory_space<hbm>>) target(%dma_start3A_11 : memref<80x128xf32, #tpu.memory_space<vmem>>) offsets(%dma_start3A_13 : memref<80xi32, #tpu.memory_space<vmem>>) semaphore(%arg11 : memref<!tpu.dma_semaphore, #tpu.memory_space<semaphore_mem>>)
    %scan3A_17 = arith.constant 0 : i32
    %scan3A_18 = arith.constant 0 : i32
    %scan3A_19 = arith.constant 128 : i32
    %scan3A_20 = arith.addi %scan3A_18, %scan3A_19 : i32
    %scan3A_21 = arith.constant 1 : i32
    scf.for %scan3A_30 = %scan3A_18 to %scan3A_20 step %scan3A_21  : i32 {
      %rem3A = arith.constant 2 : i32
      %rem3A_31 = arith.remsi %scan3A_30, %rem3A : i32
      %add3A_32 = arith.constant 1 : i32
      %add3A_33 = arith.addi %scan3A_30, %add3A_32 : i32
      %lt3A = arith.constant 128 : i32
      %lt3A_34 = arith.cmpi slt, %add3A_33, %lt3A : i32
      %convert_element_type3A = arith.extui %lt3A_34 : i1 to i32
      %cond3A = arith.constant 0 : i32
      %cond3A_35 = arith.cmpi ne, %convert_element_type3A, %cond3A : i32
      scf.if %cond3A_35 {
        %add3A_45 = arith.constant 1 : i32
        %add3A_46 = arith.addi %scan3A_30, %add3A_45 : i32
        %sub3A = arith.constant 1 : i32
        %sub3A_47 = arith.subi %sub3A, %rem3A_31 : i32
        %mul3A_48 = arith.constant 80 : i32
        %mul3A_49 = arith.muli %add3A_46, %mul3A_48 : i32
        %dma_start3A_50 = arith.constant 0 : i32
        %dma_start3A_51 = arith.constant 0 : i32
        %dma_start3A_52 = tpu.memref_slice %arg9[%sub3A_47, %dma_start3A_50, %dma_start3A_51] : memref<2x80x128xf32, #tpu.memory_space<vmem>> -> memref<1x80x128xf32, #tpu.memory_space<vmem>>
        %dma_start3A_53 = tpu.memref_squeeze %dma_start3A_52 : memref<1x80x128xf32, #tpu.memory_space<vmem>> -> memref<80x128xf32, #tpu.memory_space<vmem>>
        %dma_start3A_54 = tpu.memref_slice %arg7[%mul3A_49] : memref<10240xi32, #tpu.memory_space<vmem>> -> memref<80xi32, #tpu.memory_space<vmem>>
        %dma_start3A_55 = arith.constant 0 : i32
        %dma_start3A_56 = arith.constant 0 : i32
        %dma_start3A_57 = tpu.memref_slice %arg2[%dma_start3A_55, %dma_start3A_56] : memref<10000x128xf32, #tpu.memory_space<hbm>> -> memref<10000x128xf32, #tpu.memory_space<hbm>>
        tpu.enqueue_indirect_dma source(%dma_start3A_57 : memref<10000x128xf32, #tpu.memory_space<hbm>>) target(%dma_start3A_53 : memref<80x128xf32, #tpu.memory_space<vmem>>) offsets(%dma_start3A_54 : memref<80xi32, #tpu.memory_space<vmem>>) semaphore(%arg11 : memref<!tpu.dma_semaphore, #tpu.memory_space<semaphore_mem>>)
      } else {
      }
      %mul3A_36 = arith.constant 80 : i32
      %mul3A_37 = arith.muli %scan3A_30, %mul3A_36 : i32
      %dma_wait3A = arith.constant 0 : i32
      %dma_wait3A_38 = arith.constant 0 : i32
      %dma_wait3A_39 = tpu.memref_slice %arg9[%rem3A_31, %dma_wait3A, %dma_wait3A_38] : memref<2x80x128xf32, #tpu.memory_space<vmem>> -> memref<1x80x128xf32, #tpu.memory_space<vmem>>
      %dma_wait3A_40 = tpu.memref_squeeze %dma_wait3A_39 : memref<1x80x128xf32, #tpu.memory_space<vmem>> -> memref<80x128xf32, #tpu.memory_space<vmem>>
      %dma_wait3A_41 = tpu.memref_slice %arg7[%mul3A_37] : memref<10240xi32, #tpu.memory_space<vmem>> -> memref<80xi32, #tpu.memory_space<vmem>>
      %dma_wait3A_42 = arith.constant 0 : i32
      %dma_wait3A_43 = arith.constant 0 : i32
      %dma_wait3A_44 = tpu.memref_slice %arg2[%dma_wait3A_42, %dma_wait3A_43] : memref<10000x128xf32, #tpu.memory_space<hbm>> -> memref<10000x128xf32, #tpu.memory_space<hbm>>
      tpu.wait_indirect_dma semaphore(%arg11 : memref<!tpu.dma_semaphore, #tpu.memory_space<semaphore_mem>>) src(%dma_wait3A_44 : memref<10000x128xf32, #tpu.memory_space<hbm>>) dst(%dma_wait3A_40 : memref<80x128xf32, #tpu.memory_space<vmem>>)
      "tpu.region"() ({
        %run_scoped3A = tpu.sem_alloc : memref<!tpu.dma_semaphore, #tpu.memory_space<semaphore_mem>>
        %dma_start3A_45 = arith.constant 0 : i32
        %dma_start3A_46 = arith.constant 0 : i32
        %dma_start3A_47 = tpu.memref_slice %arg9[%rem3A_31, %dma_start3A_45, %dma_start3A_46] : memref<2x80x128xf32, #tpu.memory_space<vmem>> -> memref<1x80x128xf32, #tpu.memory_space<vmem>>
        %dma_start3A_48 = tpu.memref_squeeze %dma_start3A_47 : memref<1x80x128xf32, #tpu.memory_space<vmem>> -> memref<80x128xf32, #tpu.memory_space<vmem>>
        %dma_start3A_49 = arith.constant 0 : i32
        %dma_start3A_50 = tpu.memref_slice %arg8[%scan3A_30, %dma_start3A_49] : memref<128x80xi32, #tpu.memory_space<vmem>> -> memref<1x80xi32, #tpu.memory_space<vmem>>
        %dma_start3A_51 = tpu.memref_squeeze %dma_start3A_50 : memref<1x80xi32, #tpu.memory_space<vmem>> -> memref<80xi32, #tpu.memory_space<vmem>>
        %dma_start3A_52 = arith.constant 0 : i32
        %dma_start3A_53 = arith.constant 0 : i32
        %dma_start3A_54 = tpu.memref_slice %arg10[%dma_start3A_52, %dma_start3A_53] : memref<10240x128xf32, #tpu.memory_space<vmem_shared>> -> memref<10240x128xf32, #tpu.memory_space<vmem_shared>>
        tpu.enqueue_indirect_dma source(%dma_start3A_48 : memref<80x128xf32, #tpu.memory_space<vmem>>) target(%dma_start3A_54 : memref<10240x128xf32, #tpu.memory_space<vmem_shared>>) offsets(%dma_start3A_51 : memref<80xi32, #tpu.memory_space<vmem>>) semaphore(%run_scoped3A : memref<!tpu.dma_semaphore, #tpu.memory_space<semaphore_mem>>) {add = true}
        %dma_wait3A_55 = arith.constant 0 : i32
        %dma_wait3A_56 = arith.constant 0 : i32
        %dma_wait3A_57 = tpu.memref_slice %arg9[%rem3A_31, %dma_wait3A_55, %dma_wait3A_56] : memref<2x80x128xf32, #tpu.memory_space<vmem>> -> memref<1x80x128xf32, #tpu.memory_space<vmem>>
        %dma_wait3A_58 = tpu.memref_squeeze %dma_wait3A_57 : memref<1x80x128xf32, #tpu.memory_space<vmem>> -> memref<80x128xf32, #tpu.memory_space<vmem>>
        %dma_wait3A_59 = arith.constant 0 : i32
        %dma_wait3A_60 = tpu.memref_slice %arg8[%scan3A_30, %dma_wait3A_59] : memref<128x80xi32, #tpu.memory_space<vmem>> -> memref<1x80xi32, #tpu.memory_space<vmem>>
        %dma_wait3A_61 = tpu.memref_squeeze %dma_wait3A_60 : memref<1x80xi32, #tpu.memory_space<vmem>> -> memref<80xi32, #tpu.memory_space<vmem>>
        %dma_wait3A_62 = arith.constant 0 : i32
        %dma_wait3A_63 = arith.constant 0 : i32
        %dma_wait3A_64 = tpu.memref_slice %arg10[%dma_wait3A_62, %dma_wait3A_63] : memref<10240x128xf32, #tpu.memory_space<vmem_shared>> -> memref<10240x128xf32, #tpu.memory_space<vmem_shared>>
        tpu.wait_indirect_dma semaphore(%run_scoped3A : memref<!tpu.dma_semaphore, #tpu.memory_space<semaphore_mem>>) src(%dma_wait3A_58 : memref<80x128xf32, #tpu.memory_space<vmem>>) dst(%dma_wait3A_64 : memref<10240x128xf32, #tpu.memory_space<vmem_shared>>)
        tpu.yield
      }) : () -> ()
    }
    %scan3A_22 = arith.constant 128 : i32
    %barrier3A_23 = arith.constant 0 : index
    tpu.barrier barrier_id(%barrier3A_23)
    %scan3A_24 = arith.constant 0 : i32
    %scan3A_25 = arith.constant 0 : i32
    %scan3A_26 = arith.constant 8 : i32
    %scan3A_27 = arith.addi %scan3A_25, %scan3A_26 : i32
    %scan3A_28 = arith.constant 1 : i32
    scf.for %scan3A_30 = %scan3A_25 to %scan3A_27 step %scan3A_28  : i32 {
      %mul3A_31 = arith.constant 80 : i32
      %mul3A_32 = arith.muli %scan3A_30, %mul3A_31 : i32
      %add3A_33 = arith.addi %mul3A_2, %mul3A_32 : i32
      "tpu.region"() ({
        %run_scoped3A = tpu.sem_alloc : memref<!tpu.dma_semaphore, #tpu.memory_space<semaphore_mem>>
        %dma_start3A_34 = arith.constant 0 : i32
        %dma_start3A_35 = tpu.memref_slice %arg6[%arg0, %add3A_33, %dma_start3A_34] : memref<2x10240x128xf32, #tpu.memory_space<hbm>> -> memref<1x80x128xf32, #tpu.memory_space<hbm>>
        %dma_start3A_36 = tpu.memref_squeeze %dma_start3A_35 : memref<1x80x128xf32, #tpu.memory_space<hbm>> -> memref<80x128xf32, #tpu.memory_space<hbm>>
        %dma_start3A_37 = arith.constant 0 : i32
        %dma_start3A_38 = tpu.memref_slice %arg10[%add3A_33, %dma_start3A_37] : memref<10240x128xf32, #tpu.memory_space<vmem_shared>> -> memref<80x128xf32, #tpu.memory_space<vmem_shared>>
        tpu.enqueue_dma source(%dma_start3A_38 : memref<80x128xf32, #tpu.memory_space<vmem_shared>>) target(%dma_start3A_36 : memref<80x128xf32, #tpu.memory_space<hbm>>) target_semaphore(%run_scoped3A : memref<!tpu.dma_semaphore, #tpu.memory_space<semaphore_mem>>)
        %dma_wait3A = arith.constant 0 : i32
        %dma_wait3A_39 = tpu.memref_slice %arg6[%arg0, %add3A_33, %dma_wait3A] : memref<2x10240x128xf32, #tpu.memory_space<hbm>> -> memref<1x80x128xf32, #tpu.memory_space<hbm>>
        %dma_wait3A_40 = tpu.memref_squeeze %dma_wait3A_39 : memref<1x80x128xf32, #tpu.memory_space<hbm>> -> memref<80x128xf32, #tpu.memory_space<hbm>>
        %dma_wait3A_41 = arith.constant 0 : i32
        %dma_wait3A_42 = tpu.memref_slice %arg10[%add3A_33, %dma_wait3A_41] : memref<10240x128xf32, #tpu.memory_space<vmem_shared>> -> memref<80x128xf32, #tpu.memory_space<vmem_shared>>
        tpu.wait_dma2 semaphore(%run_scoped3A : memref<!tpu.dma_semaphore, #tpu.memory_space<semaphore_mem>>) src(%dma_wait3A_42 : memref<80x128xf32, #tpu.memory_space<vmem_shared>>) dst(%dma_wait3A_40 : memref<80x128xf32, #tpu.memory_space<hbm>>)
        tpu.yield
      }) : () -> ()
    }
    %scan3A_29 = arith.constant 8 : i32
    return
  }
}

module attributes {stable_mosaic.version = 14 : i64} {
  func.func @body(%arg0: memref<10000x20xf32, #tpu.memory_space<vmem>>, %arg1: memref<10000x108xf32, #tpu.memory_space<vmem>>, %arg2: memref<128x16xf32, #tpu.memory_space<vmem>>, %arg3: memref<128x16xf32, #tpu.memory_space<vmem>>, %arg4: memref<1x16xf32, #tpu.memory_space<vmem>>, %arg5: memref<10000x128xf32, #tpu.memory_space<vmem>>, %arg6: memref<2x10240x128xf32, #tpu.memory_space<vmem>>) attributes {dimension_semantics = [], scalar_prefetch = 0 : i64, scratch_operands = 0 : i64, tpu.core_type = #tpu.core_type<tc>} {
    %get3A = arith.constant 0 : index
    %get3A_0 = arith.constant 0 : index
    %get3A_1 = vector.load %arg0[%get3A, %get3A_0] : memref<10000x20xf32, #tpu.memory_space<vmem>>, vector<10000x20xf32>
    %get3A_2 = arith.constant 0 : index
    %get3A_3 = arith.constant 0 : index
    %get3A_4 = vector.load %arg1[%get3A_2, %get3A_3] : memref<10000x108xf32, #tpu.memory_space<vmem>>, vector<10000x108xf32>
    %concatenate3A = tpu.concatenate %get3A_1, %get3A_4 in 1 : vector<10000x20xf32>, vector<10000x108xf32> -> vector<10000x128xf32>
    %get3A_5 = arith.constant 0 : index
    %get3A_6 = arith.constant 0 : index
    %get3A_7 = vector.load %arg2[%get3A_5, %get3A_6] : memref<128x16xf32, #tpu.memory_space<vmem>>, vector<128x16xf32>
    %dot_general3A = arith.constant dense<0.000000e+00> : vector<10000x16xf32>
    %dot_general3A_8 = tpu.matmul %concatenate3A, %get3A_7, %dot_general3A {dimension_numbers = #tpu.dot_dimension_numbers<[1], [0], [0], [1], [0, 0, 1, 1], [], []>, transpose_lhs_hint = false} : vector<10000x128xf32>, vector<128x16xf32>, vector<10000x16xf32> -> vector<10000x16xf32>
    %get3A_9 = arith.constant 0 : index
    %get3A_10 = arith.constant 0 : index
    %get3A_11 = vector.load %arg3[%get3A_9, %get3A_10] : memref<128x16xf32, #tpu.memory_space<vmem>>, vector<128x16xf32>
    %dot_general3A_12 = arith.constant dense<0.000000e+00> : vector<10000x16xf32>
    %dot_general3A_13 = tpu.matmul %concatenate3A, %get3A_11, %dot_general3A_12 {dimension_numbers = #tpu.dot_dimension_numbers<[1], [0], [0], [1], [0, 0, 1, 1], [], []>, transpose_lhs_hint = false} : vector<10000x128xf32>, vector<128x16xf32>, vector<10000x16xf32> -> vector<10000x16xf32>
    %get3A_14 = arith.constant 0 : index
    %get3A_15 = arith.constant 0 : index
    %get3A_16 = vector.load %arg4[%get3A_14, %get3A_15] : memref<1x16xf32, #tpu.memory_space<vmem>>, vector<1x16xf32>
    %add3A = vector.broadcast %get3A_16 : vector<1x16xf32> to vector<10000x16xf32>
    %add3A_17 = arith.addf %dot_general3A_13, %add3A : vector<10000x16xf32>
    %broadcast_in_dim3A = arith.constant 0.000000e+00 : f32
    %broadcast_in_dim3A_18 = vector.broadcast %broadcast_in_dim3A : f32 to vector<10000x112xf32>
    %broadcast_in_dim3A_19 = arith.constant 0.000000e+00 : f32
    %broadcast_in_dim3A_20 = vector.broadcast %broadcast_in_dim3A_19 : f32 to vector<240x128xf32>
    %concatenate3A_21 = tpu.concatenate %dot_general3A_8, %broadcast_in_dim3A_18 in 1 : vector<10000x16xf32>, vector<10000x112xf32> -> vector<10000x128xf32>
    %swap3A = arith.constant 0 : index
    %swap3A_22 = arith.constant 0 : index
    %swap3A_23 = vector.load %arg5[%swap3A, %swap3A_22] : memref<10000x128xf32, #tpu.memory_space<vmem>>, vector<10000x128xf32>
    tpu.vector_store %arg5[%swap3A, %swap3A_22], %concatenate3A_21 {strides = array<i32>} : memref<10000x128xf32, #tpu.memory_space<vmem>>, vector<10000x128xf32>,
    %concatenate3A_24 = tpu.concatenate %add3A_17, %broadcast_in_dim3A_18 in 1 : vector<10000x16xf32>, vector<10000x112xf32> -> vector<10000x128xf32>
    %concatenate3A_25 = tpu.concatenate %concatenate3A_24, %broadcast_in_dim3A_20 in 0 : vector<10000x128xf32>, vector<240x128xf32> -> vector<10240x128xf32>
    %swap3A_26 = arith.constant 0 : index
    %swap3A_27 = arith.constant 0 : index
    %swap3A_28 = arith.constant 0 : index
    %swap3A_29 = vector.load %arg6[%swap3A_26, %swap3A_27, %swap3A_28] : memref<2x10240x128xf32, #tpu.memory_space<vmem>>, vector<1x10240x128xf32>
    %swap3A_30 = vector.shape_cast %swap3A_29 : vector<1x10240x128xf32> to vector<10240x128xf32>
    %swap3A_31 = vector.shape_cast %concatenate3A_25 : vector<10240x128xf32> to vector<1x10240x128xf32>
    tpu.vector_store %arg6[%swap3A_26, %swap3A_27, %swap3A_28], %swap3A_31 {strides = array<i32>} : memref<2x10240x128xf32, #tpu.memory_space<vmem>>, vector<1x10240x128xf32>,
    %broadcast_in_dim3A_32 = arith.constant 0.000000e+00 : f32
    %broadcast_in_dim3A_33 = vector.broadcast %broadcast_in_dim3A_32 : f32 to vector<10240x128xf32>
    %swap3A_34 = arith.constant 1 : index
    %swap3A_35 = arith.constant 0 : index
    %swap3A_36 = arith.constant 0 : index
    %swap3A_37 = vector.load %arg6[%swap3A_34, %swap3A_35, %swap3A_36] : memref<2x10240x128xf32, #tpu.memory_space<vmem>>, vector<1x10240x128xf32>
    %swap3A_38 = vector.shape_cast %swap3A_37 : vector<1x10240x128xf32> to vector<10240x128xf32>
    %swap3A_39 = vector.shape_cast %broadcast_in_dim3A_33 : vector<10240x128xf32> to vector<1x10240x128xf32>
    tpu.vector_store %arg6[%swap3A_34, %swap3A_35, %swap3A_36], %swap3A_39 {strides = array<i32>} : memref<2x10240x128xf32, #tpu.memory_space<vmem>>, vector<1x10240x128xf32>,
    return
  }
}

module attributes {stable_mosaic.version = 14 : i64} {
  func.func @body(%arg0: memref<2x10240x128xf32, #tpu.memory_space<vmem>>, %arg1: memref<8x4xf32, #tpu.memory_space<vmem>>, %arg2: memref<8x4xf32, #tpu.memory_space<vmem>>, %arg3: memref<1x4xf32, #tpu.memory_space<vmem>>, %arg4: memref<10000x128xf32, #tpu.memory_space<vmem>>, %arg5: memref<2x10240x128xf32, #tpu.memory_space<vmem>>) attributes {dimension_semantics = [], scalar_prefetch = 0 : i64, scratch_operands = 0 : i64, tpu.core_type = #tpu.core_type<tc>} {
    %get3A = arith.constant 0 : index
    %get3A_0 = arith.constant 0 : index
    %get3A_1 = arith.constant 0 : index
    %get3A_2 = vector.load %arg0[%get3A, %get3A_0, %get3A_1] : memref<2x10240x128xf32, #tpu.memory_space<vmem>>, vector<1x10240x128xf32>
    %get3A_3 = vector.shape_cast %get3A_2 : vector<1x10240x128xf32> to vector<10240x128xf32>
    %get3A_4 = arith.constant 1 : index
    %get3A_5 = arith.constant 0 : index
    %get3A_6 = arith.constant 0 : index
    %get3A_7 = vector.load %arg0[%get3A_4, %get3A_5, %get3A_6] : memref<2x10240x128xf32, #tpu.memory_space<vmem>>, vector<1x10240x128xf32>
    %get3A_8 = vector.shape_cast %get3A_7 : vector<1x10240x128xf32> to vector<10240x128xf32>
    %add3A = arith.addf %get3A_3, %get3A_8 : vector<10240x128xf32>
    %max3A = arith.constant 0.000000e+00 : f32
    %max3A_9 = vector.broadcast %max3A : f32 to vector<10240x128xf32>
    %max3A_10 = arith.maximumf %add3A, %max3A_9 : vector<10240x128xf32>
    %slice3A = vector.extract_strided_slice %max3A_10 {offsets = [0, 0], sizes = [10000, 8], strides = [1, 1]} : vector<10240x128xf32> to vector<10000x8xf32>
    %get3A_11 = arith.constant 0 : index
    %get3A_12 = arith.constant 0 : index
    %get3A_13 = vector.load %arg1[%get3A_11, %get3A_12] : memref<8x4xf32, #tpu.memory_space<vmem>>, vector<8x4xf32>
    %dot_general3A = arith.constant dense<0.000000e+00> : vector<10000x4xf32>
    %dot_general3A_14 = tpu.matmul %slice3A, %get3A_13, %dot_general3A {dimension_numbers = #tpu.dot_dimension_numbers<[1], [0], [0], [1], [0, 0, 1, 1], [], []>, transpose_lhs_hint = false} : vector<10000x8xf32>, vector<8x4xf32>, vector<10000x4xf32> -> vector<10000x4xf32>
    %get3A_15 = arith.constant 0 : index
    %get3A_16 = arith.constant 0 : index
    %get3A_17 = vector.load %arg2[%get3A_15, %get3A_16] : memref<8x4xf32, #tpu.memory_space<vmem>>, vector<8x4xf32>
    %dot_general3A_18 = arith.constant dense<0.000000e+00> : vector<10000x4xf32>
    %dot_general3A_19 = tpu.matmul %slice3A, %get3A_17, %dot_general3A_18 {dimension_numbers = #tpu.dot_dimension_numbers<[1], [0], [0], [1], [0, 0, 1, 1], [], []>, transpose_lhs_hint = false} : vector<10000x8xf32>, vector<8x4xf32>, vector<10000x4xf32> -> vector<10000x4xf32>
    %get3A_20 = arith.constant 0 : index
    %get3A_21 = arith.constant 0 : index
    %get3A_22 = vector.load %arg3[%get3A_20, %get3A_21] : memref<1x4xf32, #tpu.memory_space<vmem>>, vector<1x4xf32>
    %add3A_23 = vector.broadcast %get3A_22 : vector<1x4xf32> to vector<10000x4xf32>
    %add3A_24 = arith.addf %dot_general3A_19, %add3A_23 : vector<10000x4xf32>
    %broadcast_in_dim3A = arith.constant 0.000000e+00 : f32
    %broadcast_in_dim3A_25 = vector.broadcast %broadcast_in_dim3A : f32 to vector<10000x124xf32>
    %broadcast_in_dim3A_26 = arith.constant 0.000000e+00 : f32
    %broadcast_in_dim3A_27 = vector.broadcast %broadcast_in_dim3A_26 : f32 to vector<240x128xf32>
    %concatenate3A = tpu.concatenate %dot_general3A_14, %broadcast_in_dim3A_25 in 1 : vector<10000x4xf32>, vector<10000x124xf32> -> vector<10000x128xf32>
    %swap3A = arith.constant 0 : index
    %swap3A_28 = arith.constant 0 : index
    %swap3A_29 = vector.load %arg4[%swap3A, %swap3A_28] : memref<10000x128xf32, #tpu.memory_space<vmem>>, vector<10000x128xf32>
    tpu.vector_store %arg4[%swap3A, %swap3A_28], %concatenate3A {strides = array<i32>} : memref<10000x128xf32, #tpu.memory_space<vmem>>, vector<10000x128xf32>,
    %concatenate3A_30 = tpu.concatenate %add3A_24, %broadcast_in_dim3A_25 in 1 : vector<10000x4xf32>, vector<10000x124xf32> -> vector<10000x128xf32>
    %concatenate3A_31 = tpu.concatenate %concatenate3A_30, %broadcast_in_dim3A_27 in 0 : vector<10000x128xf32>, vector<240x128xf32> -> vector<10240x128xf32>
    %swap3A_32 = arith.constant 0 : index
    %swap3A_33 = arith.constant 0 : index
    %swap3A_34 = arith.constant 0 : index
    %swap3A_35 = vector.load %arg5[%swap3A_32, %swap3A_33, %swap3A_34] : memref<2x10240x128xf32, #tpu.memory_space<vmem>>, vector<1x10240x128xf32>
    %swap3A_36 = vector.shape_cast %swap3A_35 : vector<1x10240x128xf32> to vector<10240x128xf32>
    %swap3A_37 = vector.shape_cast %concatenate3A_31 : vector<10240x128xf32> to vector<1x10240x128xf32>
    tpu.vector_store %arg5[%swap3A_32, %swap3A_33, %swap3A_34], %swap3A_37 {strides = array<i32>} : memref<2x10240x128xf32, #tpu.memory_space<vmem>>, vector<1x10240x128xf32>,
    %broadcast_in_dim3A_38 = arith.constant 0.000000e+00 : f32
    %broadcast_in_dim3A_39 = vector.broadcast %broadcast_in_dim3A_38 : f32 to vector<10240x128xf32>
    %swap3A_40 = arith.constant 1 : index
    %swap3A_41 = arith.constant 0 : index
    %swap3A_42 = arith.constant 0 : index
    %swap3A_43 = vector.load %arg5[%swap3A_40, %swap3A_41, %swap3A_42] : memref<2x10240x128xf32, #tpu.memory_space<vmem>>, vector<1x10240x128xf32>
    %swap3A_44 = vector.shape_cast %swap3A_43 : vector<1x10240x128xf32> to vector<10240x128xf32>
    %swap3A_45 = vector.shape_cast %broadcast_in_dim3A_39 : vector<10240x128xf32> to vector<1x10240x128xf32>
    tpu.vector_store %arg5[%swap3A_40, %swap3A_41, %swap3A_42], %swap3A_45 {strides = array<i32>} : memref<2x10240x128xf32, #tpu.memory_space<vmem>>, vector<1x10240x128xf32>,
    return
  }
}

module attributes {stable_mosaic.version = 14 : i64} {
  func.func @body(%arg0: memref<2x10240x128xf32, #tpu.memory_space<vmem>>, %arg1: memref<16x8xf32, #tpu.memory_space<vmem>>, %arg2: memref<16x8xf32, #tpu.memory_space<vmem>>, %arg3: memref<1x8xf32, #tpu.memory_space<vmem>>, %arg4: memref<10000x128xf32, #tpu.memory_space<vmem>>, %arg5: memref<2x10240x128xf32, #tpu.memory_space<vmem>>) attributes {dimension_semantics = [], scalar_prefetch = 0 : i64, scratch_operands = 0 : i64, tpu.core_type = #tpu.core_type<tc>} {
    %get3A = arith.constant 0 : index
    %get3A_0 = arith.constant 0 : index
    %get3A_1 = arith.constant 0 : index
    %get3A_2 = vector.load %arg0[%get3A, %get3A_0, %get3A_1] : memref<2x10240x128xf32, #tpu.memory_space<vmem>>, vector<1x10240x128xf32>
    %get3A_3 = vector.shape_cast %get3A_2 : vector<1x10240x128xf32> to vector<10240x128xf32>
    %get3A_4 = arith.constant 1 : index
    %get3A_5 = arith.constant 0 : index
    %get3A_6 = arith.constant 0 : index
    %get3A_7 = vector.load %arg0[%get3A_4, %get3A_5, %get3A_6] : memref<2x10240x128xf32, #tpu.memory_space<vmem>>, vector<1x10240x128xf32>
    %get3A_8 = vector.shape_cast %get3A_7 : vector<1x10240x128xf32> to vector<10240x128xf32>
    %add3A = arith.addf %get3A_3, %get3A_8 : vector<10240x128xf32>
    %max3A = arith.constant 0.000000e+00 : f32
    %max3A_9 = vector.broadcast %max3A : f32 to vector<10240x128xf32>
    %max3A_10 = arith.maximumf %add3A, %max3A_9 : vector<10240x128xf32>
    %slice3A = vector.extract_strided_slice %max3A_10 {offsets = [0, 0], sizes = [10000, 16], strides = [1, 1]} : vector<10240x128xf32> to vector<10000x16xf32>
    %get3A_11 = arith.constant 0 : index
    %get3A_12 = arith.constant 0 : index
    %get3A_13 = vector.load %arg1[%get3A_11, %get3A_12] : memref<16x8xf32, #tpu.memory_space<vmem>>, vector<16x8xf32>
    %dot_general3A = arith.constant dense<0.000000e+00> : vector<10000x8xf32>
    %dot_general3A_14 = tpu.matmul %slice3A, %get3A_13, %dot_general3A {dimension_numbers = #tpu.dot_dimension_numbers<[1], [0], [0], [1], [0, 0, 1, 1], [], []>, transpose_lhs_hint = false} : vector<10000x16xf32>, vector<16x8xf32>, vector<10000x8xf32> -> vector<10000x8xf32>
    %get3A_15 = arith.constant 0 : index
    %get3A_16 = arith.constant 0 : index
    %get3A_17 = vector.load %arg2[%get3A_15, %get3A_16] : memref<16x8xf32, #tpu.memory_space<vmem>>, vector<16x8xf32>
    %dot_general3A_18 = arith.constant dense<0.000000e+00> : vector<10000x8xf32>
    %dot_general3A_19 = tpu.matmul %slice3A, %get3A_17, %dot_general3A_18 {dimension_numbers = #tpu.dot_dimension_numbers<[1], [0], [0], [1], [0, 0, 1, 1], [], []>, transpose_lhs_hint = false} : vector<10000x16xf32>, vector<16x8xf32>, vector<10000x8xf32> -> vector<10000x8xf32>
    %get3A_20 = arith.constant 0 : index
    %get3A_21 = arith.constant 0 : index
    %get3A_22 = vector.load %arg3[%get3A_20, %get3A_21] : memref<1x8xf32, #tpu.memory_space<vmem>>, vector<1x8xf32>
    %add3A_23 = vector.broadcast %get3A_22 : vector<1x8xf32> to vector<10000x8xf32>
    %add3A_24 = arith.addf %dot_general3A_19, %add3A_23 : vector<10000x8xf32>
    %broadcast_in_dim3A = arith.constant 0.000000e+00 : f32
    %broadcast_in_dim3A_25 = vector.broadcast %broadcast_in_dim3A : f32 to vector<10000x120xf32>
    %broadcast_in_dim3A_26 = arith.constant 0.000000e+00 : f32
    %broadcast_in_dim3A_27 = vector.broadcast %broadcast_in_dim3A_26 : f32 to vector<240x128xf32>
    %concatenate3A = tpu.concatenate %dot_general3A_14, %broadcast_in_dim3A_25 in 1 : vector<10000x8xf32>, vector<10000x120xf32> -> vector<10000x128xf32>
    %swap3A = arith.constant 0 : index
    %swap3A_28 = arith.constant 0 : index
    %swap3A_29 = vector.load %arg4[%swap3A, %swap3A_28] : memref<10000x128xf32, #tpu.memory_space<vmem>>, vector<10000x128xf32>
    tpu.vector_store %arg4[%swap3A, %swap3A_28], %concatenate3A {strides = array<i32>} : memref<10000x128xf32, #tpu.memory_space<vmem>>, vector<10000x128xf32>,
    %concatenate3A_30 = tpu.concatenate %add3A_24, %broadcast_in_dim3A_25 in 1 : vector<10000x8xf32>, vector<10000x120xf32> -> vector<10000x128xf32>
    %concatenate3A_31 = tpu.concatenate %concatenate3A_30, %broadcast_in_dim3A_27 in 0 : vector<10000x128xf32>, vector<240x128xf32> -> vector<10240x128xf32>
    %swap3A_32 = arith.constant 0 : index
    %swap3A_33 = arith.constant 0 : index
    %swap3A_34 = arith.constant 0 : index
    %swap3A_35 = vector.load %arg5[%swap3A_32, %swap3A_33, %swap3A_34] : memref<2x10240x128xf32, #tpu.memory_space<vmem>>, vector<1x10240x128xf32>
    %swap3A_36 = vector.shape_cast %swap3A_35 : vector<1x10240x128xf32> to vector<10240x128xf32>
    %swap3A_37 = vector.shape_cast %concatenate3A_31 : vector<10240x128xf32> to vector<1x10240x128xf32>
    tpu.vector_store %arg5[%swap3A_32, %swap3A_33, %swap3A_34], %swap3A_37 {strides = array<i32>} : memref<2x10240x128xf32, #tpu.memory_space<vmem>>, vector<1x10240x128xf32>,
    %broadcast_in_dim3A_38 = arith.constant 0.000000e+00 : f32
    %broadcast_in_dim3A_39 = vector.broadcast %broadcast_in_dim3A_38 : f32 to vector<10240x128xf32>
    %swap3A_40 = arith.constant 1 : index
    %swap3A_41 = arith.constant 0 : index
    %swap3A_42 = arith.constant 0 : index
    %swap3A_43 = vector.load %arg5[%swap3A_40, %swap3A_41, %swap3A_42] : memref<2x10240x128xf32, #tpu.memory_space<vmem>>, vector<1x10240x128xf32>
    %swap3A_44 = vector.shape_cast %swap3A_43 : vector<1x10240x128xf32> to vector<10240x128xf32>
    %swap3A_45 = vector.shape_cast %broadcast_in_dim3A_39 : vector<10240x128xf32> to vector<1x10240x128xf32>
    tpu.vector_store %arg5[%swap3A_40, %swap3A_41, %swap3A_42], %swap3A_45 {strides = array<i32>} : memref<2x10240x128xf32, #tpu.memory_space<vmem>>, vector<1x10240x128xf32>,
    return
  }
}

module attributes {stable_mosaic.version = 14 : i64} {
  func.func @body(%arg0: memref<2x10240x128xf32, #tpu.memory_space<vmem>>, %arg1: memref<4x1xf32, #tpu.memory_space<vmem>>, %arg2: memref<4x1xf32, #tpu.memory_space<vmem>>, %arg3: memref<1x1xf32, #tpu.memory_space<vmem>>, %arg4: memref<10000x1xf32, #tpu.memory_space<vmem>>, %arg5: memref<2x10240x1xf32, #tpu.memory_space<vmem>>) attributes {dimension_semantics = [], scalar_prefetch = 0 : i64, scratch_operands = 0 : i64, tpu.core_type = #tpu.core_type<tc>} {
    %get3A = arith.constant 0 : index
    %get3A_0 = arith.constant 0 : index
    %get3A_1 = arith.constant 0 : index
    %get3A_2 = vector.load %arg0[%get3A, %get3A_0, %get3A_1] : memref<2x10240x128xf32, #tpu.memory_space<vmem>>, vector<1x10240x128xf32>
    %get3A_3 = vector.shape_cast %get3A_2 : vector<1x10240x128xf32> to vector<10240x128xf32>
    %get3A_4 = arith.constant 1 : index
    %get3A_5 = arith.constant 0 : index
    %get3A_6 = arith.constant 0 : index
    %get3A_7 = vector.load %arg0[%get3A_4, %get3A_5, %get3A_6] : memref<2x10240x128xf32, #tpu.memory_space<vmem>>, vector<1x10240x128xf32>
    %get3A_8 = vector.shape_cast %get3A_7 : vector<1x10240x128xf32> to vector<10240x128xf32>
    %add3A = arith.addf %get3A_3, %get3A_8 : vector<10240x128xf32>
    %max3A = arith.constant 0.000000e+00 : f32
    %max3A_9 = vector.broadcast %max3A : f32 to vector<10240x128xf32>
    %max3A_10 = arith.maximumf %add3A, %max3A_9 : vector<10240x128xf32>
    %slice3A = vector.extract_strided_slice %max3A_10 {offsets = [0, 0], sizes = [10000, 4], strides = [1, 1]} : vector<10240x128xf32> to vector<10000x4xf32>
    %get3A_11 = arith.constant 0 : index
    %get3A_12 = arith.constant 0 : index
    %get3A_13 = vector.load %arg1[%get3A_11, %get3A_12] : memref<4x1xf32, #tpu.memory_space<vmem>>, vector<4x1xf32>
    %dot_general3A = arith.constant dense<0.000000e+00> : vector<10000x1xf32>
    %dot_general3A_14 = tpu.matmul %slice3A, %get3A_13, %dot_general3A {dimension_numbers = #tpu.dot_dimension_numbers<[1], [0], [0], [1], [0, 0, 1, 1], [], []>, transpose_lhs_hint = false} : vector<10000x4xf32>, vector<4x1xf32>, vector<10000x1xf32> -> vector<10000x1xf32>
    %get3A_15 = arith.constant 0 : index
    %get3A_16 = arith.constant 0 : index
    %get3A_17 = vector.load %arg2[%get3A_15, %get3A_16] : memref<4x1xf32, #tpu.memory_space<vmem>>, vector<4x1xf32>
    %dot_general3A_18 = arith.constant dense<0.000000e+00> : vector<10000x1xf32>
    %dot_general3A_19 = tpu.matmul %slice3A, %get3A_17, %dot_general3A_18 {dimension_numbers = #tpu.dot_dimension_numbers<[1], [0], [0], [1], [0, 0, 1, 1], [], []>, transpose_lhs_hint = false} : vector<10000x4xf32>, vector<4x1xf32>, vector<10000x1xf32> -> vector<10000x1xf32>
    %get3A_20 = arith.constant 0 : index
    %get3A_21 = arith.constant 0 : index
    %get3A_22 = vector.load %arg3[%get3A_20, %get3A_21] : memref<1x1xf32, #tpu.memory_space<vmem>>, vector<1x1xf32>
    %add3A_23 = vector.broadcast %get3A_22 : vector<1x1xf32> to vector<10000x1xf32>
    %add3A_24 = arith.addf %dot_general3A_19, %add3A_23 : vector<10000x1xf32>
    %swap3A = arith.constant 0 : index
    %swap3A_25 = arith.constant 0 : index
    %swap3A_26 = vector.load %arg4[%swap3A, %swap3A_25] : memref<10000x1xf32, #tpu.memory_space<vmem>>, vector<10000x1xf32>
    tpu.vector_store %arg4[%swap3A, %swap3A_25], %dot_general3A_14 {strides = array<i32>} : memref<10000x1xf32, #tpu.memory_space<vmem>>, vector<10000x1xf32>,
    %broadcast_in_dim3A = arith.constant 0.000000e+00 : f32
    %broadcast_in_dim3A_27 = vector.broadcast %broadcast_in_dim3A : f32 to vector<240x1xf32>
    %concatenate3A = tpu.concatenate %add3A_24, %broadcast_in_dim3A_27 in 0 : vector<10000x1xf32>, vector<240x1xf32> -> vector<10240x1xf32>
    %swap3A_28 = arith.constant 0 : index
    %swap3A_29 = arith.constant 0 : index
    %swap3A_30 = arith.constant 0 : index
    %swap3A_31 = vector.load %arg5[%swap3A_28, %swap3A_29, %swap3A_30] : memref<2x10240x1xf32, #tpu.memory_space<vmem>>, vector<1x10240x1xf32>
    %swap3A_32 = vector.shape_cast %swap3A_31 : vector<1x10240x1xf32> to vector<10240x1xf32>
    %swap3A_33 = vector.shape_cast %concatenate3A : vector<10240x1xf32> to vector<1x10240x1xf32>
    tpu.vector_store %arg5[%swap3A_28, %swap3A_29, %swap3A_30], %swap3A_33 {strides = array<i32>} : memref<2x10240x1xf32, #tpu.memory_space<vmem>>, vector<1x10240x1xf32>,
    %broadcast_in_dim3A_34 = arith.constant 0.000000e+00 : f32
    %broadcast_in_dim3A_35 = vector.broadcast %broadcast_in_dim3A_34 : f32 to vector<10240x1xf32>
    %swap3A_36 = arith.constant 1 : index
    %swap3A_37 = arith.constant 0 : index
    %swap3A_38 = arith.constant 0 : index
    %swap3A_39 = vector.load %arg5[%swap3A_36, %swap3A_37, %swap3A_38] : memref<2x10240x1xf32, #tpu.memory_space<vmem>>, vector<1x10240x1xf32>
    %swap3A_40 = vector.shape_cast %swap3A_39 : vector<1x10240x1xf32> to vector<10240x1xf32>
    %swap3A_41 = vector.shape_cast %broadcast_in_dim3A_35 : vector<10240x1xf32> to vector<1x10240x1xf32>
    tpu.vector_store %arg5[%swap3A_36, %swap3A_37, %swap3A_38], %swap3A_41 {strides = array<i32>} : memref<2x10240x1xf32, #tpu.memory_space<vmem>>, vector<1x10240x1xf32>,
    return
  }
}

module attributes {stable_mosaic.version = 14 : i64} {
  func.func @body(%arg0: memref<2x10240xf32, #tpu.memory_space<vmem>>, %arg1: memref<1x1xf32, #tpu.memory_space<vmem>>) attributes {dimension_semantics = [], scalar_prefetch = 0 : i64, scratch_operands = 0 : i64, tpu.core_type = #tpu.core_type<tc>} {
    %get3A = arith.constant 0 : index
    %get3A_0 = arith.constant 0 : index
    %get3A_1 = vector.load %arg0[%get3A, %get3A_0] : memref<2x10240xf32, #tpu.memory_space<vmem>>, vector<1x10240xf32>
    %get3A_2 = arith.constant 1 : index
    %get3A_3 = arith.constant 0 : index
    %get3A_4 = vector.load %arg0[%get3A_2, %get3A_3] : memref<2x10240xf32, #tpu.memory_space<vmem>>, vector<1x10240xf32>
    %add3A = arith.addf %get3A_1, %get3A_4 : vector<1x10240xf32>
    %max3A = arith.constant 0.000000e+00 : f32
    %max3A_5 = vector.broadcast %max3A : f32 to vector<1x10240xf32>
    %max3A_6 = arith.maximumf %add3A, %max3A_5 : vector<1x10240xf32>
    %slice3A = vector.extract_strided_slice %max3A_6 {offsets = [0, 0], sizes = [1, 10000], strides = [1, 1]} : vector<1x10240xf32> to vector<1x10000xf32>
    %reduce_sum3A = arith.constant dense<0.000000e+00> : vector<1xf32>
    %reduce_sum3A_7 = vector.multi_reduction <add>, %slice3A, %reduce_sum3A [1] : vector<1x10000xf32> to vector<1xf32>
    %broadcast_in_dim3A = vector.shape_cast %reduce_sum3A_7 : vector<1xf32> to vector<1x1xf32>
    %div3A = arith.constant 1.000000e+04 : f32
    %div3A_8 = vector.broadcast %div3A : f32 to vector<1x1xf32>
    %div3A_9 = arith.divf %broadcast_in_dim3A, %div3A_8 : vector<1x1xf32>
    %swap3A = arith.constant 0 : index
    %swap3A_10 = arith.constant 0 : index
    %swap3A_11 = vector.load %arg1[%swap3A, %swap3A_10] : memref<1x1xf32, #tpu.memory_space<vmem>>, vector<1x1xf32>
    tpu.vector_store %arg1[%swap3A, %swap3A_10], %div3A_9 {strides = array<i32>} : memref<1x1xf32, #tpu.memory_space<vmem>>, vector<1x1xf32>,
    return
  }
}

</mosaic_0001>

<sc_bundles>
// kernel: kernel.11.cloned.1.call-start
scs
__scs_entry_jumppad:
0x0: {  	(pc) =	sbr.rel $0x88, $3  }
0x1: {  	(tag) =	ssettag $0x0;
	lr =	simm.s32 $0x1  }
0x2: {  	[smem:$0x3F92] =	sst lr;
	_ =	strace $0xD0000000  }
0x3: {  	_ = 	snop  }
0x4: {  	_ = 	snop  }
0x5: {  	_ = 	snop  }
0x6: {  	_ = 	snop  }
0x7: {  	_ = 	snop  }
__scs_overlays_trampoline_lowered:
0x8: {  	[smem:$0x3FA1] =	sst s0  }
0x9: {  	[smem:$0x3FA2] =	sst s1  }
0xa: {  	[smem:$0x3FA3] =	sst s2  }
0xb: {  	[smem:$0x3FA4] =	sst s3  }
0xc: {  	[smem:$0x3FA5] =	sst s4  }
0xd: {  	[smem:$0x3FA6] =	sst s5  }
0xe: {  	[smem:$0x3FA7] =	sst s6  }
0xf: {  	[smem:$0x3FA8] =	sst s7  }
0x10: {  	[smem:$0x3FA9] =	sst s8  }
0x11: {  	[smem:$0x3FAA] =	sst s9;
	s0 =	simm.s32 @!p0 $0x0  }
0x12: {  	s1 =	sld [smem:$0x3F90];
	s0 =	simm.s32 @p0 $0x1  }
0x13: {  	[smem:$0x3FAB] =	sst s0;
	s0 =	simm.s32 @!p1 $0x0  }
0x14: {  	s2 =	sld [smem:$0x3F8F];
	s0 =	simm.s32 @p1 $0x1  }
0x15: {  	[smem:$0x3FAC] =	sst s0;
	s0 =	simm.s32 @!p2 $0x0  }
0x16: {  	s3 =	sld [smem:$0x3FDB];
	s0 =	simm.s32 @p2 $0x1  }
0x17: {  	s4 =	simm.s32 $0x1BF5;
	[smem:$0x3FAE] =	sst s0  }
0x18: {  	s0 =	sld [smem:$0x3F91];
	_ =	swait.ge [sflag:s4], $0x0  }
0x19: {  	s7 =	sld [smem:$0x3F92]  }
0x1a: {  	s8 =	sadd.s32 $0xFFFFE003, lr  }
0x1b: {  	s9 =	sadd.s32 $0xFFFFFEF7, lr;
	s5 =	simm.s32 $0xFFFFFFFF;
	p2 =	slt.u32 s8, $0xFFFFF086  }
0x1c: {  	p1 =	slt.u32 s9, $0xF7A;
	s5 =	simm.s32 @!p2 $0x0  }
0x1d: {  	s5 =	simm.s32 @p1 $0x1;
	p0 =	seq.s32 s7, s2  }
0x1e: {  	s7 =	smul.u32 @!p0 $0xF7A, s2;
	p2 =	seq.s32 @!p0 s5, $0x0  }
0x1f: {  	s9 =	smul.u32 $0xF7A, s1;
	s8 =	simm.s32 @!p0 $0x1BF5;
	p2 =	por !p2, p0  }
0x20: {  	[sflag:s8] =	ssyncset.s32 @!p0 $0xFFFFF086;
	s6 =	sadd.s32 @!p0 s3, s7;
	s7 =	simm.s32 @!p0 $0x108  }
0x21: {  	s3 =	sadd.s32 s3, s9;
	s6 =	sadd.s32 @!p0 $0x88, s6;
	s7 =	simm.s32 @p2 $0x1082  }
0x22: {  	[simem:s7], [sflag:s8] =	dma.local @!p0 [hbm:s6], $0xF7A  }
0x23: {  	s9 =	sor.u32 $0xD0000000, s2;
	s6 =	simm.s32 $0x108;
	_ =	swait.ge @!p0 [sflag:s8], $0x0  }
0x24: {  	s3 =	sadd.s32 $0x88, s3;
	s6 =	simm.s32 @!p1 $0x1082;
	[sflag:s4] =	ssyncset.s32 $0xFFFFF086  }
0x25: {  	[simem:s6], [sflag:s4] =	dma.local [hbm:s3], $0xF7A  }
0x26: {  	[smem:$0x3F92] =	sst s1;
	(tag) =	ssettag s2;
	_ =	strace s9  }
0x27: {  	s1 =	sld [smem:$0x3FA2]  }
0x28: {  	s2 =	sld [smem:$0x3FA3]  }
0x29: {  	s4 =	sld [smem:$0x3FA5]  }
0x2a: {  	p0 =	seq.s32 s5, $0x0;
	s5 =	sld [smem:$0x3FA6]  }
0x2b: {  	s6 =	sld [smem:$0x3FA7]  }
0x2c: {  	s7 =	sld [smem:$0x3FA8]  }
0x2d: {  	s3 =	simm.s32 $0x108;
	s8 =	sld [smem:$0x3FA9]  }
0x2e: {  	s3 =	simm.s32 @!p0 $0x1082;
	s9 =	sld [smem:$0x3FAA]  }
0x2f: {  	lr =	sadd.s32 s0, s3;
	s0 =	sld [smem:$0x3FA1]  }
0x30: {  	s3 =	sld [smem:$0x3FA4]  }
0x31: {  	[smem:$0x3FAD] =	sst s10  }
0x32: {  	s10 =	sld [smem:$0x3FAB];
	_ =	sdelay $0x3  }
0x33: {  	p0 =	seq.s32 s10, $0x1;
	s10 =	sld [smem:$0x3FAD];
	_ =	sdelay $0x3  }
0x34: {  	[smem:$0x3FAD] =	sst s10  }
0x35: {  	s10 =	sld [smem:$0x3FAC];
	_ =	sdelay $0x3  }
0x36: {  	p1 =	seq.s32 s10, $0x1;
	s10 =	sld [smem:$0x3FAD];
	_ =	sdelay $0x3  }
0x37: {  	[smem:$0x3FAD] =	sst s10  }
0x38: {  	s10 =	sld [smem:$0x3FAE]  }
0x39: {  	_ = 	snop;
	(pc) =	sbr.ind lr, $3  }
0x3a: {  	_ = 	snop  }
0x3b: {  	_ = 	snop  }
0x3c: {  	p2 =	seq.s32 s10, $0x1;
	s10 =	sld [smem:$0x3FAD]  }
0x3d: {  	_ =	shalt  }
0x3e: {  	_ =	shalt  }
0x3f: {  	_ =	shalt  }
0x40: {  	_ =	shalt  }
0x41: {  	_ =	shalt  }
0x42: {  	_ =	shalt  }
0x43: {  	_ =	shalt  }
0x44: {  	_ =	shalt  }
0x45: {  	_ =	shalt  }
0x46: {  	_ =	shalt  }
0x47: {  	_ =	shalt  }
0x48: {  	_ =	shalt  }
0x49: {  	_ =	shalt  }
0x4a: {  	_ =	shalt  }
0x4b: {  	_ =	shalt  }
0x4c: {  	_ =	shalt  }
0x4d: {  	_ =	shalt  }
0x4e: {  	_ =	shalt  }
0x4f: {  	_ =	shalt  }
0x50: {  	_ =	shalt  }
0x51: {  	_ =	shalt  }
0x52: {  	_ =	shalt  }
0x53: {  	_ =	shalt  }
0x54: {  	_ =	shalt  }
0x55: {  	_ =	shalt  }
0x56: {  	_ =	shalt  }
0x57: {  	_ =	shalt  }
0x58: {  	_ =	shalt  }
0x59: {  	_ =	shalt  }
0x5a: {  	_ =	shalt  }
0x5b: {  	_ =	shalt  }
0x5c: {  	_ =	shalt  }
0x5d: {  	_ =	shalt  }
0x5e: {  	_ =	shalt  }
0x5f: {  	_ =	shalt  }
0x60: {  	_ =	shalt  }
0x61: {  	_ =	shalt  }
0x62: {  	_ =	shalt  }
0x63: {  	_ =	shalt  }
0x64: {  	_ =	shalt  }
0x65: {  	_ =	shalt  }
0x66: {  	_ =	shalt  }
0x67: {  	_ =	shalt  }
0x68: {  	_ =	shalt  }
0x69: {  	_ =	shalt  }
0x6a: {  	_ =	shalt  }
0x6b: {  	_ =	shalt  }
0x6c: {  	_ =	shalt  }
0x6d: {  	_ =	shalt  }
0x6e: {  	_ =	shalt  }
0x6f: {  	_ =	shalt  }
0x70: {  	_ =	shalt  }
0x71: {  	_ =	shalt  }
0x72: {  	_ =	shalt  }
0x73: {  	_ =	shalt  }
0x74: {  	_ =	shalt  }
0x75: {  	_ =	shalt  }
0x76: {  	_ =	shalt  }
0x77: {  	_ =	shalt  }
0x78: {  	_ =	shalt  }
0x79: {  	_ =	shalt  }
0x7a: {  	_ =	shalt  }
0x7b: {  	_ =	shalt  }
0x7c: {  	_ =	shalt  }
0x7d: {  	_ =	shalt  }
0x7e: {  	_ =	shalt  }
0x7f: {  	_ =	shalt  }
0x80: {  	_ =	shalt  }
0x81: {  	_ =	shalt  }
0x82: {  	_ =	shalt  }
0x83: {  	_ =	shalt  }
0x84: {  	_ =	shalt  }
0x85: {  	_ =	shalt  }
0x86: {  	_ =	shalt  }
0x87: {  	_ =	shalt  }
.Lfunc_end0:
.L_simem_size_0:
called_computation_lowered:
.L_overlay_start_0:
0x88: {  	s2 =	sld [smem:$0x3FD9]  }
0x89: {  	s3 =	sld [smem:$0x3FFE];
	_ =	sdelay $0x1  }
0x8a: {  	s1 =	srdreg.scid  }
0x8b: {  	s0 =	sand.u32 $0x1, s1  }
0x8c: {  	s16 =	sshll.u32 s0, $0xA;
	s2 =	sadd.s32 s3, s2  }
0x8d: {  	s2 =	sadd.s32 s2, s16  }
0x8e: {  	[smem:$0x3FB9] =	sst s2  }
0x8f: {  	_ = 	snop  }
0x90: {  	(tm) =	ssettm $0x1  }
0x91: {  	s17 =	sld [smem:$0x3FFB];
	_ =	sdelay $0x3  }
0x92: {  	_ =	strace s17  }
0x93: {  	s2 =	sld [smem:$0x3FFC];
	_ =	sdelay $0x3  }
0x94: {  	_ =	strace s2  }
0x95: {  	s2 =	sld [smem:$0x3FFD];
	_ =	sdelay $0x3  }
0x96: {  	_ =	strace s2  }
0x97: {  	_ =	strace $0x8FFFFFFF  }
0x98: {  	s18 =	sld [smem:$0x3FDB];
	_ =	sdelay $0x1  }
0x99: {  	s19 =	simm.s32 $_scs_section_size  }
0x9a: {  	s4 =	simm.s32 $_size__tile_overlayer_lowered;
	s5 =	simm.s32 $_tile_overlayer_lowered  }
0x9b: {  	s22 =	simm.s32 $0x1BFF;
	s21 =	sshll.u32 s5, $0x1;
	s2 =	sadd.s32 s19, s18  }
0x9c: {  	s6 =	simm.s32 $0x0;
	s20 =	sshll.u32 s4, $0x1;
	s4 =	sadd.s32 s21, s2  }
0x9d: {  	[timem:s6], [sflag:s22] =	dma.local [hbm:s4], s20  }
0x9e: {  	_ =	swait.ge [sflag:s22], s20  }
0x9f: {  	s3 =	ssub.s32 $0x0, s20;
	[sflag:s22] =	ssyncset.done $0x0  }
0xa0: {  	[sflag:s22] =	ssyncadd.s32 s3;
	_ =	sdelay $0x1  }
0xa1: {  	s23 =	simm.s32 $0x1B8B  }
0xa2: {  	_ =	swait.ge [sflag:s23], $0x1  }
0xa3: {  	[sflag:s23] =	ssyncset.done $0x0  }
0xa4: {  	s25 =	simm.s32 $0x1B8E;
	s24 =	sld [smem:$0x3FFE];
	[sflag:s23] =	ssyncadd.s32 $0xFFFFFFFF  }
0xa5: {  	s26 =	simm.s32 $execute0_lowered;
	[smem:$0x3FD2] =	sst s25  }
0xa6: {  	s4 =	sshll.u32 s26, $0x1;
	_ =	strace $0x80000046;
	[dreg:$0x1] =	wrdreg $0xFFFFFFFF  }
0xa7: {  	s28 =	simm.s32 $_size_execute0_lowered;
	s2 =	sadd.s32 s2, s4;
	[dreg:$0x0] =	wrdreg $0x0  }
0xa8: {  	s4 =	sshll.u32 s28, $0x1;
	[dreg:$0x2] =	wrdreg s2  }
0xa9: {  	[dreg:$0x3] =	wrdreg s4  }
0xaa: {  	[dreg:$0x4] =	wrdreg $0xC0  }
0xab: {  	_ =	task [dreg:s6], $0x5FFFF  }
0xac: {  	[dreg:$0x1] =	wrdreg $0xFFFFFFFF  }
0xad: {  	[dreg:$0x0] =	wrdreg $0x60  }
0xae: {  	[dreg:$0x2] =	wrdreg s24  }
0xaf: {  	[dreg:$0x3] =	wrdreg $0xB8000  }
0xb0: {  	[dreg:$0x4] =	wrdreg $0x9  }
0xb1: {  	_ =	task.clear_ibuf [dreg:s6], $0x5FFFF;
	_ =	strace $0x90000046  }
0xb2: {  	s29 =	simm.s32 $0x9;
	_ =	strace $0x80000048  }
0xb3: {  	_ =	swait.ge [sflag:s29], $0x1  }
0xb4: {  	[sflag:s29] =	ssyncadd.s32 $0xFFFFFFFF  }
0xb5: {  	_ =	strace $0x90000048  }
0xb6: {  	_ =	sfence  }
0xb7: {  	s30 =	sld [smem:$0x0];
	_ =	sdelay $0x2  }
0xb8: {  	s31 =	sshll.u32 s1, $0xD;
	s1 =	sshrl.u32 s1, $0x2  }
0xb9: {  	s3 =	sand.u32 $0x4000, s31;
	s1 =	sadd.s32 s1, s30  }
0xba: {  	s0 =	sor.u32 s3, s0;
	s1 =	sshll.u32 s1, $0x11  }
0xbb: {  	s0 =	sor.u32 s1, s0  }
0xbc: {  	s0 =	sadd.s32 $0x8F2B, s0  }
0xbd: {  	[sflag:s0] =	ssyncadd.remote.s32 $0x1  }
0xbe: {  	_ =	sfence.sel $0xFFFF  }
0xbf: {  	[dreg:$0x0] =	wrdreg $0xFFFFFFFF;
	(pc) =	sbr.abs _section_cstart, $3  }
0xc0: {  	[dreg:$0x1] =	wrdreg $0xFFFFFFFF  }
0xc1: {  	_ =	task.clear_ibuf [dreg:s6], $0x2FFFF;
	_ =	strace $0x9FFFFFFF  }
0xc2: {  	(tm) =	ssettm $0x7FFFFFFF  }
0xc3: {  	_ =	shalt  }
tec
execute0_lowered:
.L_overlay_start_1:
0x0: {  	(tag) =	ssettag $0x1  }
0x1: {  	s0 =	srdreg.scid  }
0x2: {  	s21 =	stileid.u32;
	s4 =	rddreg [dreg:$0x0]  }
0x3: {  	s0 =	sand.u32 $0x1, s0;
	s2 =	sshrl.u32 s21, $0x2;
	s7 =	smul.u32 $0x14000, s21  }
0x4: {  	s1 =	sshll.u32 s21, $0x1;
	s8 =	sadd.s32 $0x94400, s4;
	s2 =	smul.u32 $0x14000, s2  }
0x5: {  	s3 =	sor.u32 s0, s1;
	s6 =	smul.u32 $0x140000, s0;
	s1 =	simm.s32 $0x0  }
0x6: {  	s0 =	ssub.s32 $0x2, s0;
	s5 =	sshll.u32 s3, $0x7;
	[smem:$0x7FF] =	sst s1  }
0x7: {  	s10 =	sshrl.u32 s0, $0x1;
	s11 =	sor.u32 $0x2800, s7;
	s13 =	sadd.s32 $0x7800, s7  }
0x8: {  	s15 =	sadd.s32 $0xA000, s7;
	s18 =	sadd.s32 $0xC800, s7;
	s3 =	sshll.u32 s3, $0xB  }
0x9: {  	s5 =	sand.u32 $0x380, s5;
	s9 =	sadd.s32 s6, s7;
	s0 =	ssub.s32 s0, s10  }
0xa: {  	s20 =	sadd.s32 s6, s11;
	s10 =	sadd.s32 $0x5000, s7;
	s14 =	sadd.s32 s6, s13  }
0xb: {  	s23 =	sadd.s32 s6, s15;
	s17 =	sadd.s32 s6, s18;
	s3 =	sadd.s32 s3, s4  }
0xc: {  	s2 =	sor.u32 s2, s5;
	s5 =	sadd.s32 $0x1D200, s4;
	s9 =	sshrl.u32 s9, $0x3  }
0xd: {  	s22 =	sadd.s32 s6, s10;
	s14 =	sshrl.u32 s14, $0x3;
	s19 =	sadd.s32 s8, s9  }
0xe: {  	s17 =	sshrl.u32 s17, $0x3;
	s9 =	sadd.s32 s5, s9;
	[dreg:$0x3] =	wrdreg s19  }
0xf: {  	s0 =	smax.u32 s0, $0x1;
	s25 =	sadd.s32 s5, s17;
	[dreg:$0x4] =	wrdreg s9  }
0x10: {  	s17 =	sadd.s32 s8, s17;
	s2 =	sshrl.u32 s2, $0x3;
	[dreg:$0x9] =	wrdreg s25  }
0x11: {  	s9 =	sshrl.u32 s20, $0x3;
	s19 =	sadd.s32 $0xF000, s7;
	[dreg:$0x10] =	wrdreg s17  }
0x12: {  	s7 =	sadd.s32 $0x11800, s7;
	s17 =	rddreg [dreg:$0x1];
	s2 =	sadd.s32 s2, s4  }
0x13: {  	s12 =	sadd.s32 s5, s9;
	s20 =	sadd.s32 s6, s19;
	s6 =	sadd.s32 s6, s7  }
0x14: {  	s9 =	sadd.s32 s8, s9;
	s2 =	sadd.s32 $0x13200, s2;
	[dreg:$0x5] =	wrdreg s12  }
0x15: {  	s12 =	sshrl.u32 s22, $0x3;
	s22 =	sadd.s32 s5, s14;
	[dreg:$0xc] =	wrdreg s9  }
0x16: {  	s28 =	sadd.s32 s10, s17;
	s14 =	sadd.s32 s8, s14;
	[dreg:$0x7] =	wrdreg s22  }
0x17: {  	s20 =	sshrl.u32 s20, $0x3;
	s16 =	sadd.s32 s5, s12;
	[dreg:$0xe] =	wrdreg s14  }
0x18: {  	s29 =	sadd.s32 s13, s17;
	s26 =	sadd.s32 s5, s20;
	[dreg:$0x6] =	wrdreg s16  }
0x19: {  	s30 =	sadd.s32 s15, s17;
	s12 =	sadd.s32 s8, s12;
	[dreg:$0xa] =	wrdreg s26  }
0x1a: {  	s6 =	sshrl.u32 s6, $0x3;
	s20 =	sadd.s32 s8, s20;
	[dreg:$0xd] =	wrdreg s12  }
0x1b: {  	s22 =	sadd.s32 s8, s6;
	s16 =	sshrl.u32 s23, $0x3;
	[dreg:$0x11] =	wrdreg s20  }
0x1c: {  	s31 =	sadd.s32 s18, s17;
	[dreg:$0x12] =	wrdreg s22;
	s24 =	sadd.s32 s5, s16  }
0x1d: {  	s13 =	sadd.s32 s19, s17;
	s5 =	sadd.s32 s5, s6;
	[dreg:$0x8] =	wrdreg s24  }
0x1e: {  	s23 =	smul.u32 $0x50000, s21;
	s16 =	sadd.s32 s8, s16;
	[dreg:$0xb] =	wrdreg s5  }
0x1f: {  	s20 =	sadd.s32 $0x6D200, s4;
	s26 =	sshll.u32 s21, $0x6;
	[dreg:$0xf] =	wrdreg s16  }
0x20: {  	s24 =	sadd.s32 $0x3200, s3;
	_ =	strace $0x80000047;
	[dreg:$0x13] =	wrdreg s2  }
0x21: {  	s4 =	simm.s32 $0x1;
	s25 =	sshrl.u32 s23, $0x2;
	[dreg:$0x14] =	wrdreg s24  }
0x22: {  	s3 =	simm.s32 $0x50;
	s5 =	simm.s32 $0x0;
	[dreg:$0x15] =	wrdreg s0  }
0x23: {  	s0 =	sadd.s32 s25, s17;
	s25 =	sor.u32 $0x1C02, s26;
	s26 =	sadd.s32 s11, s17  }
0x24: {  	s2 =	simm.s32 $0x2;
	[dreg:$0x16] =	wrdreg s0;
	s0 =	sadd.s32 s7, s17  }
.LBB2_1:
0x25: {  	s6 =	rddreg [dreg:$0x16]  }
0x26: {  	s7 =	rddreg [dreg:$0x4];
	s6 =	sshrl.u32 s6, $0x3  }
0x27: {  	[spmem:s6], [sflag:s25] =	dma.local [hbm:s7], $0x500  }
0x28: {  	_ =	swait.ge [sflag:s2], $0x500  }
0x29: {  	[sflag:s2] =	ssyncset.done $0x0  }
0x2a: {  	s7 =	sshrl.u32 s26, $0x3;
	s8 =	rddreg [dreg:$0x5];
	[sflag:s2] =	ssyncadd.s32 $0xFFFFFB00  }
0x2b: {  	[spmem:s7], [sflag:s25] =	dma.local [hbm:s8], $0x500  }
0x2c: {  	_ =	swait.ge [sflag:s2], $0x500  }
0x2d: {  	[sflag:s2] =	ssyncset.done $0x0  }
0x2e: {  	s8 =	sshrl.u32 s28, $0x3;
	s9 =	rddreg [dreg:$0x6];
	[sflag:s2] =	ssyncadd.s32 $0xFFFFFB00  }
0x2f: {  	[spmem:s8], [sflag:s25] =	dma.local [hbm:s9], $0x500  }
0x30: {  	_ =	swait.ge [sflag:s2], $0x500  }
0x31: {  	[sflag:s2] =	ssyncset.done $0x0  }
0x32: {  	s9 =	sshrl.u32 s29, $0x3;
	s10 =	rddreg [dreg:$0x7];
	[sflag:s2] =	ssyncadd.s32 $0xFFFFFB00  }
0x33: {  	[spmem:s9], [sflag:s25] =	dma.local [hbm:s10], $0x500  }
0x34: {  	_ =	swait.ge [sflag:s2], $0x500  }
0x35: {  	[sflag:s2] =	ssyncset.done $0x0  }
0x36: {  	s10 =	sshrl.u32 s30, $0x3;
	s11 =	rddreg [dreg:$0x8];
	[sflag:s2] =	ssyncadd.s32 $0xFFFFFB00  }
0x37: {  	[spmem:s10], [sflag:s25] =	dma.local [hbm:s11], $0x500  }
0x38: {  	_ =	swait.ge [sflag:s2], $0x500  }
0x39: {  	[sflag:s2] =	ssyncset.done $0x0  }
0x3a: {  	s11 =	sshrl.u32 s31, $0x3;
	s12 =	rddreg [dreg:$0x9];
	[sflag:s2] =	ssyncadd.s32 $0xFFFFFB00  }
0x3b: {  	[spmem:s11], [sflag:s25] =	dma.local [hbm:s12], $0x500  }
0x3c: {  	_ =	swait.ge [sflag:s2], $0x500  }
0x3d: {  	[sflag:s2] =	ssyncset.done $0x0  }
0x3e: {  	s12 =	sshrl.u32 s13, $0x3;
	s14 =	rddreg [dreg:$0xa];
	[sflag:s2] =	ssyncadd.s32 $0xFFFFFB00  }
0x3f: {  	[spmem:s12], [sflag:s25] =	dma.local [hbm:s14], $0x500  }
0x40: {  	_ =	swait.ge [sflag:s2], $0x500  }
0x41: {  	[sflag:s2] =	ssyncset.done $0x0  }
0x42: {  	s14 =	sshrl.u32 s0, $0x3;
	s15 =	rddreg [dreg:$0xb];
	[sflag:s2] =	ssyncadd.s32 $0xFFFFFB00  }
0x43: {  	[spmem:s14], [sflag:s25] =	dma.local [hbm:s15], $0x500  }
0x44: {  	_ =	swait.ge [sflag:s2], $0x500  }
0x45: {  	s16 =	simm.s32 $0x80;
	[sflag:s2] =	ssyncset.done $0x0  }
0x46: {  	s18 =	simm.s32 $0x400;
	s23 =	rddreg [dreg:$0x13];
	[sflag:s2] =	ssyncadd.s32 $0xFFFFFB00  }
0x47: {  	[tilespmem:s1], [sflag:$0x2] =	stream.strided.gather [hbm4b:s23+s16], $0x2800, s18, s16, $0x38;
	[tilespmem:$0x1F800] =	vst v63  }
0x48: {  	_ =	swait.ge [sflag:s2], $0x2800  }
0x49: {  	s24 =	simm.s32 $0x2800;
	[sflag:s2] =	ssyncset.done $0x0  }
0x4a: {  	s21 =	sand.u32 $0x1, s1;
	s19 =	rddreg [dreg:$0x14];
	[sflag:s2] =	ssyncadd.s32 $0xFFFFD800  }
0x4b: {  	[tilespmem:s24], [sflag:$0x2] =	stream.linear.gather [hbm4b:s19+s1], $0x4000, $0x38;
	[tilespmem:$0x1F800] =	vst v63  }
0x4c: {  	s22 =	sxor.u32 $0x1, s21;
	_ =	swait.ge [sflag:s2], $0x4000  }
0x4d: {  	s18 =	smul.u32 $0xA000, s22;
	[sflag:s2] =	ssyncset.done $0x0  }
0x4e: {  	[sflag:s2] =	ssyncadd.s32 $0xFFFFC000  }
0x4f: {  	s18 =	sshrl.u32 s18, $0x2;
	s19 =	simm.s32 $0x6800;
	[bflag:$0x0] =	sbarrier.arrive $0xFFFF  }
0x50: {  	[tilespmem:s19], [sflag:$0x1] =	stream.indirect.gather [hbm4b:s20+s3], $0x80, s1, s3, $0xb8;
	[tilespmem:$0x1F800] =	vst v63  }
0x51: {  	s16 =	smul.u32 $0xA000, s21;
	s18 =	sadd.s32 $0x6800, s18  }
0x52: {  	[tilespmem:s18], [sflag:$0x1] =	stream.indirect.gather [hbm4b:s20+s3], $0x80, s3, s3, $0xb8;
	[tilespmem:$0x1F800] =	vst v63  }
0x53: {  	_ =	swait.ge [sflag:s4], $0x2800  }
0x54: {  	s23 =	simm.s32 $0x1;
	s16 =	sshrl.u32 s16, $0x2;
	[sflag:s4] =	ssyncset.done $0x0  }
0x55: {  	s16 =	sadd.s32 $0x6800, s16;
	s18 =	sand.u32 $0x1, s23;
	[sflag:s4] =	ssyncadd.s32 $0xFFFFD800  }
0x56: {  	[spmem:s17] =	stream.indirect.scatter.add.f32 [tilespmem:s16], [sflag:$0x2], $0x80, s24, s3, $0xb8;
	[tilespmem:$0x1F800] =	vst v63  }
0x57: {  	s24 =	sxor.u32 $0x1, s18;
	s18 =	smul.u32 $0xA000, s18  }
0x58: {  	s21 =	smul.u32 $0xA000, s24  }
0x59: {  	s15 =	simm.s32 $0x2880;
	s19 =	simm.s32 $0x2;
	s16 =	simm.s32 $0xA0  }
.LBB2_2:
0x5a: {  	s21 =	sshrl.u32 s21, $0x2;
	s18 =	sshrl.u32 s18, $0x2  }
0x5b: {  	_ =	swait.ge [sflag:s2], $0x2800;
	s22 =	smov.u32 s19;
	s23 =	smov.u32 s15  }
0x5c: {  	s24 =	sadd.s32 $0x1, s19;
	s21 =	sadd.s32 $0x6800, s21;
	[sflag:s2] =	ssyncset.done $0x0  }
0x5d: {  	p0 =	sne.s32 s19, $0x7E;
	[sflag:s2] =	ssyncadd.s32 $0xFFFFD800  }
0x5e: {  	[tilespmem:s21], [sflag:$0x1] =	stream.indirect.gather [hbm4b:s20+s3], $0x80, s16, s3, $0xb8;
	[tilespmem:$0x1F800] =	vst v63  }
.Ltmp0:
0x5f: {  	s15 =	sadd.s32 $0x80, s15;
	s16 =	sadd.s32 $0x50, s16;
	(pc) =	sbr.rel @p0 .LBB2_2-.Ltmp0, $4  }
0x60: {  	s19 =	sand.u32 $0x1, s22;
	s22 =	sadd.s32 $0x6800, s18;
	_ =	swait.ge [sflag:s4], $0x2800  }
0x61: {  	s18 =	smul.u32 $0xA000, s19;
	s21 =	sxor.u32 $0x1, s19;
	[sflag:s4] =	ssyncset.done $0x0  }
0x62: {  	s19 =	smov.u32 s24;
	s21 =	smul.u32 $0xA000, s21;
	[sflag:s4] =	ssyncadd.s32 $0xFFFFD800  }
0x63: {  	[spmem:s17] =	stream.indirect.scatter.add.f32 [tilespmem:s22], [sflag:$0x2], $0x80, s23, s3, $0xb8;
	[tilespmem:$0x1F800] =	vst v63  }
0x64: {  	_ =	swait.ge [sflag:s2], $0x2800  }
0x65: {  	s19 =	sshrl.u32 s21, $0x2;
	[sflag:s2] =	ssyncset.done $0x0  }
0x66: {  	s19 =	sadd.s32 $0x6800, s19;
	[sflag:s2] =	ssyncadd.s32 $0xFFFFD800  }
0x67: {  	[tilespmem:s19], [sflag:$0x1] =	stream.indirect.gather [hbm4b:s20+s3], $0x80, s16, s3, $0xb8;
	[tilespmem:$0x1F800] =	vst v63  }
0x68: {  	_ =	swait.ge [sflag:s4], $0x2800  }
0x69: {  	s21 =	sshrl.u32 s18, $0x2;
	[sflag:s4] =	ssyncset.done $0x0  }
0x6a: {  	s16 =	sadd.s32 $0x6800, s21;
	[sflag:s4] =	ssyncadd.s32 $0xFFFFD800  }
0x6b: {  	[spmem:s17] =	stream.indirect.scatter.add.f32 [tilespmem:s16], [sflag:$0x2], $0x80, s15, s3, $0xb8;
	[tilespmem:$0x1F800] =	vst v63  }
0x6c: {  	_ =	swait.ge [sflag:s2], $0x2800  }
0x6d: {  	[sflag:s2] =	ssyncset.done $0x0  }
0x6e: {  	[sflag:s2] =	ssyncadd.s32 $0xFFFFD800  }
0x6f: {  	_ =	swait.ge [sflag:s4], $0x2800  }
0x70: {  	[sflag:s4] =	ssyncset.done $0x0  }
0x71: {  	s22 =	simm.s32 $0x6780;
	s23 =	simm.s32 $0x9000;
	[sflag:s4] =	ssyncadd.s32 $0xFFFFD800  }
0x72: {  	[spmem:s17] =	stream.indirect.scatter.add.f32 [tilespmem:s23], [sflag:$0x2], $0x80, s22, s3, $0xb8;
	[tilespmem:$0x1F800] =	vst v63  }
0x73: {  	_ =	swait.ge [sflag:s2], $0x2800  }
0x74: {  	[sflag:s2] =	ssyncset.done $0x0  }
0x75: {  	[sflag:s2] =	ssyncadd.s32 $0xFFFFD800  }
0x76: {  	[bflag:$0x0] =	sbarrier.arrive $0xFFFF  }
0x77: {  	s24 =	rddreg [dreg:$0x3]  }
0x78: {  	[hbm:s24], [sflag:s25] =	dma.local [spmem:s6], $0x500  }
0x79: {  	_ =	swait.ge [sflag:s2], $0x500  }
0x7a: {  	[sflag:s2] =	ssyncset.done $0x0  }
0x7b: {  	s15 =	rddreg [dreg:$0xc];
	[sflag:s2] =	ssyncadd.s32 $0xFFFFFB00  }
0x7c: {  	[hbm:s15], [sflag:s25] =	dma.local [spmem:s7], $0x500  }
0x7d: {  	_ =	swait.ge [sflag:s2], $0x500  }
0x7e: {  	[sflag:s2] =	ssyncset.done $0x0  }
0x7f: {  	s16 =	rddreg [dreg:$0xd];
	[sflag:s2] =	ssyncadd.s32 $0xFFFFFB00  }
0x80: {  	[hbm:s16], [sflag:s25] =	dma.local [spmem:s8], $0x500  }
0x81: {  	_ =	swait.ge [sflag:s2], $0x500  }
0x82: {  	[sflag:s2] =	ssyncset.done $0x0  }
0x83: {  	s18 =	rddreg [dreg:$0xe];
	[sflag:s2] =	ssyncadd.s32 $0xFFFFFB00  }
0x84: {  	[hbm:s18], [sflag:s25] =	dma.local [spmem:s9], $0x500  }
0x85: {  	_ =	swait.ge [sflag:s2], $0x500  }
0x86: {  	[sflag:s2] =	ssyncset.done $0x0  }
0x87: {  	s19 =	rddreg [dreg:$0xf];
	[sflag:s2] =	ssyncadd.s32 $0xFFFFFB00  }
0x88: {  	[hbm:s19], [sflag:s25] =	dma.local [spmem:s10], $0x500  }
0x89: {  	_ =	swait.ge [sflag:s2], $0x500  }
0x8a: {  	[sflag:s2] =	ssyncset.done $0x0  }
0x8b: {  	s21 =	rddreg [dreg:$0x10];
	[sflag:s2] =	ssyncadd.s32 $0xFFFFFB00  }
0x8c: {  	[hbm:s21], [sflag:s25] =	dma.local [spmem:s11], $0x500  }
0x8d: {  	_ =	swait.ge [sflag:s2], $0x500  }
0x8e: {  	[sflag:s2] =	ssyncset.done $0x0  }
0x8f: {  	s22 =	rddreg [dreg:$0x11];
	[sflag:s2] =	ssyncadd.s32 $0xFFFFFB00  }
0x90: {  	[hbm:s22], [sflag:s25] =	dma.local [spmem:s12], $0x500  }
0x91: {  	_ =	swait.ge [sflag:s2], $0x500  }
0x92: {  	[sflag:s2] =	ssyncset.done $0x0  }
0x93: {  	s23 =	rddreg [dreg:$0x12];
	[sflag:s2] =	ssyncadd.s32 $0xFFFFFB00  }
0x94: {  	[hbm:s23], [sflag:s25] =	dma.local [spmem:s14], $0x500  }
0x95: {  	_ =	swait.ge [sflag:s2], $0x500  }
0x96: {  	s5 =	sadd.s32 $0x1, s5;
	s24 =	rddreg [dreg:$0x15]  }
0x97: {  	p0 =	sne.s32 s5, s24  }
.Ltmp1:
0x98: {  	_ = 	snop;
	(pc) =	sbr.rel @p0 .LBB2_1-.Ltmp1, $3  }
0x99: {  	_ =	sdelay $0x1  }
0x9a: {  	[sflag:s2] =	ssyncset.done $0x0  }
0x9b: {  	[sflag:s2] =	ssyncadd.s32 $0xFFFFFB00  }
0x9c: {  	_ =	sfence.sel $0x180000  }
0x9d: {  	[bflag:$0x0] =	sbarrier.arrive $0xFFFF  }
0x9e: {  	_ =	strace $0x90000047  }
0x9f: {  	s0 =	stileid.u32;
	[bflag:$0x2] =	sbarrier.arrive $0xFFFF  }
0xa0: {  	p0 =	sne.s32 s0, $0x0;
	s0 =	rddreg [dreg:$0x2]  }
0xa1: {  	s0 =	sadd.s32 @!p0 $0x100000, s0  }
0xa2: {  	[sflag:s0] =	ssyncadd.tile.s32 @!p0 $0x1;
	_ =	shalt  }
.Lfunc_end2:
_tile_overlayer_lowered:
.L_overlay_start_2:
0xa3: {  	(tag) =	ssettag $0x2  }
0xa4: {  	s0 =	rddreg [dreg:$0x0];
	s2 =	stileid.u32  }
0xa5: {  	s1 =	rddreg [dreg:$0x1];
	p0 =	sne.s32 s2, $0x0  }
0xa6: {  	s3 =	rddreg [dreg:$0x2];
	[bflag:$0x3] =	sbarrier.arrive $0xFFFF;
	s2 =	simm.s32 @!p0 $0x1C02  }
0xa7: {  	[timem:s3], [sflag:s2] =	dma.local @!p0 [hbm:s0], s1  }
0xa8: {  	s0 =	simm.s32 @!p0 $0x2  }
0xa9: {  	_ =	swait.ge @!p0 [sflag:s0], s1  }
0xaa: {  	s1 =	ssub.s32 @!p0 $0x0, s1;
	[sflag:s0] =	ssyncset.done @!p0 $0x0  }
0xab: {  	[sflag:s0] =	ssyncadd.s32 @!p0 s1  }
0xac: {  	[bflag:$0x3] =	sbarrier.arrive $0xFFFF  }
0xad: {  	_ =	shalt  }

// kernel: kernel.14.cloned.1.call-start
scs
__scs_entry_jumppad:
0x0: {  	(pc) =	sbr.rel $0x88, $3  }
0x1: {  	(tag) =	ssettag $0x0;
	lr =	simm.s32 $0x1  }
0x2: {  	[smem:$0x3F92] =	sst lr;
	_ =	strace $0xD0000000  }
0x3: {  	_ = 	snop  }
0x4: {  	_ = 	snop  }
0x5: {  	_ = 	snop  }
0x6: {  	_ = 	snop  }
0x7: {  	_ = 	snop  }
__scs_overlays_trampoline_lowered:
0x8: {  	[smem:$0x3FA1] =	sst s0  }
0x9: {  	[smem:$0x3FA2] =	sst s1  }
0xa: {  	[smem:$0x3FA3] =	sst s2  }
0xb: {  	[smem:$0x3FA4] =	sst s3  }
0xc: {  	[smem:$0x3FA5] =	sst s4  }
0xd: {  	[smem:$0x3FA6] =	sst s5  }
0xe: {  	[smem:$0x3FA7] =	sst s6  }
0xf: {  	[smem:$0x3FA8] =	sst s7  }
0x10: {  	[smem:$0x3FA9] =	sst s8  }
0x11: {  	[smem:$0x3FAA] =	sst s9;
	s0 =	simm.s32 @!p0 $0x0  }
0x12: {  	s1 =	sld [smem:$0x3F90];
	s0 =	simm.s32 @p0 $0x1  }
0x13: {  	[smem:$0x3FAB] =	sst s0;
	s0 =	simm.s32 @!p1 $0x0  }
0x14: {  	s2 =	sld [smem:$0x3F8F];
	s0 =	simm.s32 @p1 $0x1  }
0x15: {  	[smem:$0x3FAC] =	sst s0;
	s0 =	simm.s32 @!p2 $0x0  }
0x16: {  	s3 =	sld [smem:$0x3FDB];
	s0 =	simm.s32 @p2 $0x1  }
0x17: {  	s4 =	simm.s32 $0x1BF5;
	[smem:$0x3FAE] =	sst s0  }
0x18: {  	s0 =	sld [smem:$0x3F91];
	_ =	swait.ge [sflag:s4], $0x0  }
0x19: {  	s7 =	sld [smem:$0x3F92]  }
0x1a: {  	s8 =	sadd.s32 $0xFFFFE003, lr  }
0x1b: {  	s9 =	sadd.s32 $0xFFFFFEF7, lr;
	s5 =	simm.s32 $0xFFFFFFFF;
	p2 =	slt.u32 s8, $0xFFFFF086  }
0x1c: {  	p1 =	slt.u32 s9, $0xF7A;
	s5 =	simm.s32 @!p2 $0x0  }
0x1d: {  	s5 =	simm.s32 @p1 $0x1;
	p0 =	seq.s32 s7, s2  }
0x1e: {  	s7 =	smul.u32 @!p0 $0xF7A, s2;
	p2 =	seq.s32 @!p0 s5, $0x0  }
0x1f: {  	s9 =	smul.u32 $0xF7A, s1;
	s8 =	simm.s32 @!p0 $0x1BF5;
	p2 =	por !p2, p0  }
0x20: {  	[sflag:s8] =	ssyncset.s32 @!p0 $0xFFFFF086;
	s6 =	sadd.s32 @!p0 s3, s7;
	s7 =	simm.s32 @!p0 $0x108  }
0x21: {  	s3 =	sadd.s32 s3, s9;
	s6 =	sadd.s32 @!p0 $0x88, s6;
	s7 =	simm.s32 @p2 $0x1082  }
0x22: {  	[simem:s7], [sflag:s8] =	dma.local @!p0 [hbm:s6], $0xF7A  }
0x23: {  	s9 =	sor.u32 $0xD0000000, s2;
	s6 =	simm.s32 $0x108;
	_ =	swait.ge @!p0 [sflag:s8], $0x0  }
0x24: {  	s3 =	sadd.s32 $0x88, s3;
	s6 =	simm.s32 @!p1 $0x1082;
	[sflag:s4] =	ssyncset.s32 $0xFFFFF086  }
0x25: {  	[simem:s6], [sflag:s4] =	dma.local [hbm:s3], $0xF7A  }
0x26: {  	[smem:$0x3F92] =	sst s1;
	(tag) =	ssettag s2;
	_ =	strace s9  }
0x27: {  	s1 =	sld [smem:$0x3FA2]  }
0x28: {  	s2 =	sld [smem:$0x3FA3]  }
0x29: {  	s4 =	sld [smem:$0x3FA5]  }
0x2a: {  	p0 =	seq.s32 s5, $0x0;
	s5 =	sld [smem:$0x3FA6]  }
0x2b: {  	s6 =	sld [smem:$0x3FA7]  }
0x2c: {  	s7 =	sld [smem:$0x3FA8]  }
0x2d: {  	s3 =	simm.s32 $0x108;
	s8 =	sld [smem:$0x3FA9]  }
0x2e: {  	s3 =	simm.s32 @!p0 $0x1082;
	s9 =	sld [smem:$0x3FAA]  }
0x2f: {  	lr =	sadd.s32 s0, s3;
	s0 =	sld [smem:$0x3FA1]  }
0x30: {  	s3 =	sld [smem:$0x3FA4]  }
0x31: {  	[smem:$0x3FAD] =	sst s10  }
0x32: {  	s10 =	sld [smem:$0x3FAB];
	_ =	sdelay $0x3  }
0x33: {  	p0 =	seq.s32 s10, $0x1;
	s10 =	sld [smem:$0x3FAD];
	_ =	sdelay $0x3  }
0x34: {  	[smem:$0x3FAD] =	sst s10  }
0x35: {  	s10 =	sld [smem:$0x3FAC];
	_ =	sdelay $0x3  }
0x36: {  	p1 =	seq.s32 s10, $0x1;
	s10 =	sld [smem:$0x3FAD];
	_ =	sdelay $0x3  }
0x37: {  	[smem:$0x3FAD] =	sst s10  }
0x38: {  	s10 =	sld [smem:$0x3FAE]  }
0x39: {  	_ = 	snop;
	(pc) =	sbr.ind lr, $3  }
0x3a: {  	_ = 	snop  }
0x3b: {  	_ = 	snop  }
0x3c: {  	p2 =	seq.s32 s10, $0x1;
	s10 =	sld [smem:$0x3FAD]  }
0x3d: {  	_ =	shalt  }
0x3e: {  	_ =	shalt  }
0x3f: {  	_ =	shalt  }
0x40: {  	_ =	shalt  }
0x41: {  	_ =	shalt  }
0x42: {  	_ =	shalt  }
0x43: {  	_ =	shalt  }
0x44: {  	_ =	shalt  }
0x45: {  	_ =	shalt  }
0x46: {  	_ =	shalt  }
0x47: {  	_ =	shalt  }
0x48: {  	_ =	shalt  }
0x49: {  	_ =	shalt  }
0x4a: {  	_ =	shalt  }
0x4b: {  	_ =	shalt  }
0x4c: {  	_ =	shalt  }
0x4d: {  	_ =	shalt  }
0x4e: {  	_ =	shalt  }
0x4f: {  	_ =	shalt  }
0x50: {  	_ =	shalt  }
0x51: {  	_ =	shalt  }
0x52: {  	_ =	shalt  }
0x53: {  	_ =	shalt  }
0x54: {  	_ =	shalt  }
0x55: {  	_ =	shalt  }
0x56: {  	_ =	shalt  }
0x57: {  	_ =	shalt  }
0x58: {  	_ =	shalt  }
0x59: {  	_ =	shalt  }
0x5a: {  	_ =	shalt  }
0x5b: {  	_ =	shalt  }
0x5c: {  	_ =	shalt  }
0x5d: {  	_ =	shalt  }
0x5e: {  	_ =	shalt  }
0x5f: {  	_ =	shalt  }
0x60: {  	_ =	shalt  }
0x61: {  	_ =	shalt  }
0x62: {  	_ =	shalt  }
0x63: {  	_ =	shalt  }
0x64: {  	_ =	shalt  }
0x65: {  	_ =	shalt  }
0x66: {  	_ =	shalt  }
0x67: {  	_ =	shalt  }
0x68: {  	_ =	shalt  }
0x69: {  	_ =	shalt  }
0x6a: {  	_ =	shalt  }
0x6b: {  	_ =	shalt  }
0x6c: {  	_ =	shalt  }
0x6d: {  	_ =	shalt  }
0x6e: {  	_ =	shalt  }
0x6f: {  	_ =	shalt  }
0x70: {  	_ =	shalt  }
0x71: {  	_ =	shalt  }
0x72: {  	_ =	shalt  }
0x73: {  	_ =	shalt  }
0x74: {  	_ =	shalt  }
0x75: {  	_ =	shalt  }
0x76: {  	_ =	shalt  }
0x77: {  	_ =	shalt  }
0x78: {  	_ =	shalt  }
0x79: {  	_ =	shalt  }
0x7a: {  	_ =	shalt  }
0x7b: {  	_ =	shalt  }
0x7c: {  	_ =	shalt  }
0x7d: {  	_ =	shalt  }
0x7e: {  	_ =	shalt  }
0x7f: {  	_ =	shalt  }
0x80: {  	_ =	shalt  }
0x81: {  	_ =	shalt  }
0x82: {  	_ =	shalt  }
0x83: {  	_ =	shalt  }
0x84: {  	_ =	shalt  }
0x85: {  	_ =	shalt  }
0x86: {  	_ =	shalt  }
0x87: {  	_ =	shalt  }
.Lfunc_end0:
.L_simem_size_0:
called_computation.1_lowered:
.L_overlay_start_0:
0x88: {  	s2 =	sld [smem:$0x3FD9]  }
0x89: {  	s3 =	sld [smem:$0x3FFE];
	_ =	sdelay $0x1  }
0x8a: {  	s1 =	srdreg.scid  }
0x8b: {  	s0 =	sand.u32 $0x1, s1  }
0x8c: {  	s16 =	sshll.u32 s0, $0xA;
	s2 =	sadd.s32 s3, s2  }
0x8d: {  	s2 =	sadd.s32 s2, s16  }
0x8e: {  	[smem:$0x3FB9] =	sst s2  }
0x8f: {  	_ = 	snop  }
0x90: {  	(tm) =	ssettm $0x1  }
0x91: {  	s17 =	sld [smem:$0x3FFB];
	_ =	sdelay $0x3  }
0x92: {  	_ =	strace s17  }
0x93: {  	s2 =	sld [smem:$0x3FFC];
	_ =	sdelay $0x3  }
0x94: {  	_ =	strace s2  }
0x95: {  	s2 =	sld [smem:$0x3FFD];
	_ =	sdelay $0x3  }
0x96: {  	_ =	strace s2  }
0x97: {  	_ =	strace $0x8FFFFFFF  }
0x98: {  	s18 =	sld [smem:$0x3FDB];
	_ =	sdelay $0x1  }
0x99: {  	s19 =	simm.s32 $_scs_section_size  }
0x9a: {  	s4 =	simm.s32 $_size__tile_overlayer_lowered;
	s5 =	simm.s32 $_tile_overlayer_lowered  }
0x9b: {  	s22 =	simm.s32 $0x1BFF;
	s21 =	sshll.u32 s5, $0x1;
	s2 =	sadd.s32 s19, s18  }
0x9c: {  	s6 =	simm.s32 $0x0;
	s20 =	sshll.u32 s4, $0x1;
	s4 =	sadd.s32 s21, s2  }
0x9d: {  	[timem:s6], [sflag:s22] =	dma.local [hbm:s4], s20  }
0x9e: {  	_ =	swait.ge [sflag:s22], s20  }
0x9f: {  	s3 =	ssub.s32 $0x0, s20;
	[sflag:s22] =	ssyncset.done $0x0  }
0xa0: {  	[sflag:s22] =	ssyncadd.s32 s3;
	_ =	sdelay $0x1  }
0xa1: {  	s23 =	simm.s32 $0x1B8B  }
0xa2: {  	_ =	swait.ge [sflag:s23], $0x1  }
0xa3: {  	[sflag:s23] =	ssyncset.done $0x0  }
0xa4: {  	s25 =	simm.s32 $0x1B8E;
	s24 =	sld [smem:$0x3FFE];
	[sflag:s23] =	ssyncadd.s32 $0xFFFFFFFF  }
0xa5: {  	s26 =	simm.s32 $execute0_lowered;
	[smem:$0x3FD2] =	sst s25  }
0xa6: {  	s4 =	sshll.u32 s26, $0x1;
	_ =	strace $0x80000049;
	[dreg:$0x1] =	wrdreg $0xFFFFFFFF  }
0xa7: {  	s28 =	simm.s32 $_size_execute0_lowered;
	s2 =	sadd.s32 s2, s4;
	[dreg:$0x0] =	wrdreg $0x0  }
0xa8: {  	s4 =	sshll.u32 s28, $0x1;
	[dreg:$0x2] =	wrdreg s2  }
0xa9: {  	[dreg:$0x3] =	wrdreg s4  }
0xaa: {  	[dreg:$0x4] =	wrdreg $0xC0  }
0xab: {  	_ =	task [dreg:s6], $0x5FFFF  }
0xac: {  	[dreg:$0x1] =	wrdreg $0xFFFFFFFF  }
0xad: {  	[dreg:$0x0] =	wrdreg $0x60  }
0xae: {  	[dreg:$0x2] =	wrdreg s24  }
0xaf: {  	[dreg:$0x3] =	wrdreg $0xB8000  }
0xb0: {  	[dreg:$0x4] =	wrdreg $0x9  }
0xb1: {  	_ =	task.clear_ibuf [dreg:s6], $0x5FFFF;
	_ =	strace $0x90000049  }
0xb2: {  	s29 =	simm.s32 $0x9;
	_ =	strace $0x8000004B  }
0xb3: {  	_ =	swait.ge [sflag:s29], $0x1  }
0xb4: {  	[sflag:s29] =	ssyncadd.s32 $0xFFFFFFFF  }
0xb5: {  	_ =	strace $0x9000004B  }
0xb6: {  	_ =	sfence  }
0xb7: {  	s30 =	sld [smem:$0x0];
	_ =	sdelay $0x2  }
0xb8: {  	s31 =	sshll.u32 s1, $0xD;
	s1 =	sshrl.u32 s1, $0x2  }
0xb9: {  	s3 =	sand.u32 $0x4000, s31;
	s1 =	sadd.s32 s1, s30  }
0xba: {  	s0 =	sor.u32 s3, s0;
	s1 =	sshll.u32 s1, $0x11  }
0xbb: {  	s0 =	sor.u32 s1, s0  }
0xbc: {  	s0 =	sadd.s32 $0x8F2B, s0  }
0xbd: {  	[sflag:s0] =	ssyncadd.remote.s32 $0x1  }
0xbe: {  	_ =	sfence.sel $0xFFFF  }
0xbf: {  	[dreg:$0x0] =	wrdreg $0xFFFFFFFF;
	(pc) =	sbr.abs _section_cstart, $3  }
0xc0: {  	[dreg:$0x1] =	wrdreg $0xFFFFFFFF  }
0xc1: {  	_ =	task.clear_ibuf [dreg:s6], $0x2FFFF;
	_ =	strace $0x9FFFFFFF  }
0xc2: {  	(tm) =	ssettm $0x7FFFFFFF  }
0xc3: {  	_ =	shalt  }
tec
execute0_lowered:
.L_overlay_start_1:
0x0: {  	(tag) =	ssettag $0x1  }
0x1: {  	s0 =	srdreg.scid  }
0x2: {  	s21 =	stileid.u32;
	s4 =	rddreg [dreg:$0x0]  }
0x3: {  	s0 =	sand.u32 $0x1, s0;
	s2 =	sshrl.u32 s21, $0x2;
	s7 =	smul.u32 $0x14000, s21  }
0x4: {  	s1 =	sshll.u32 s21, $0x1;
	s8 =	sadd.s32 $0x94400, s4;
	s2 =	smul.u32 $0x14000, s2  }
0x5: {  	s3 =	sor.u32 s0, s1;
	s6 =	smul.u32 $0x140000, s0;
	s1 =	simm.s32 $0x0  }
0x6: {  	s0 =	ssub.s32 $0x2, s0;
	s5 =	sshll.u32 s3, $0x7;
	[smem:$0x7FF] =	sst s1  }
0x7: {  	s10 =	sshrl.u32 s0, $0x1;
	s11 =	sor.u32 $0x2800, s7;
	s13 =	sadd.s32 $0x7800, s7  }
0x8: {  	s15 =	sadd.s32 $0xA000, s7;
	s18 =	sadd.s32 $0xC800, s7;
	s3 =	sshll.u32 s3, $0xB  }
0x9: {  	s5 =	sand.u32 $0x380, s5;
	s9 =	sadd.s32 s6, s7;
	s0 =	ssub.s32 s0, s10  }
0xa: {  	s20 =	sadd.s32 s6, s11;
	s10 =	sadd.s32 $0x5000, s7;
	s14 =	sadd.s32 s6, s13  }
0xb: {  	s23 =	sadd.s32 s6, s15;
	s17 =	sadd.s32 s6, s18;
	s3 =	sadd.s32 s3, s4  }
0xc: {  	s2 =	sor.u32 s2, s5;
	s5 =	sadd.s32 $0x1D200, s4;
	s9 =	sshrl.u32 s9, $0x3  }
0xd: {  	s22 =	sadd.s32 s6, s10;
	s14 =	sshrl.u32 s14, $0x3;
	s19 =	sadd.s32 s8, s9  }
0xe: {  	s17 =	sshrl.u32 s17, $0x3;
	s9 =	sadd.s32 s5, s9;
	[dreg:$0x3] =	wrdreg s19  }
0xf: {  	s0 =	smax.u32 s0, $0x1;
	s25 =	sadd.s32 s5, s17;
	[dreg:$0x4] =	wrdreg s9  }
0x10: {  	s17 =	sadd.s32 s8, s17;
	s2 =	sshrl.u32 s2, $0x3;
	[dreg:$0x9] =	wrdreg s25  }
0x11: {  	s9 =	sshrl.u32 s20, $0x3;
	s19 =	sadd.s32 $0xF000, s7;
	[dreg:$0x10] =	wrdreg s17  }
0x12: {  	s7 =	sadd.s32 $0x11800, s7;
	s17 =	rddreg [dreg:$0x1];
	s2 =	sadd.s32 s2, s4  }
0x13: {  	s12 =	sadd.s32 s5, s9;
	s20 =	sadd.s32 s6, s19;
	s6 =	sadd.s32 s6, s7  }
0x14: {  	s9 =	sadd.s32 s8, s9;
	s2 =	sadd.s32 $0x13200, s2;
	[dreg:$0x5] =	wrdreg s12  }
0x15: {  	s12 =	sshrl.u32 s22, $0x3;
	s22 =	sadd.s32 s5, s14;
	[dreg:$0xc] =	wrdreg s9  }
0x16: {  	s28 =	sadd.s32 s10, s17;
	s14 =	sadd.s32 s8, s14;
	[dreg:$0x7] =	wrdreg s22  }
0x17: {  	s20 =	sshrl.u32 s20, $0x3;
	s16 =	sadd.s32 s5, s12;
	[dreg:$0xe] =	wrdreg s14  }
0x18: {  	s29 =	sadd.s32 s13, s17;
	s26 =	sadd.s32 s5, s20;
	[dreg:$0x6] =	wrdreg s16  }
0x19: {  	s30 =	sadd.s32 s15, s17;
	s12 =	sadd.s32 s8, s12;
	[dreg:$0xa] =	wrdreg s26  }
0x1a: {  	s6 =	sshrl.u32 s6, $0x3;
	s20 =	sadd.s32 s8, s20;
	[dreg:$0xd] =	wrdreg s12  }
0x1b: {  	s22 =	sadd.s32 s8, s6;
	s16 =	sshrl.u32 s23, $0x3;
	[dreg:$0x11] =	wrdreg s20  }
0x1c: {  	s31 =	sadd.s32 s18, s17;
	[dreg:$0x12] =	wrdreg s22;
	s24 =	sadd.s32 s5, s16  }
0x1d: {  	s13 =	sadd.s32 s19, s17;
	s5 =	sadd.s32 s5, s6;
	[dreg:$0x8] =	wrdreg s24  }
0x1e: {  	s23 =	smul.u32 $0x50000, s21;
	s16 =	sadd.s32 s8, s16;
	[dreg:$0xb] =	wrdreg s5  }
0x1f: {  	s20 =	sadd.s32 $0x6D200, s4;
	s26 =	sshll.u32 s21, $0x6;
	[dreg:$0xf] =	wrdreg s16  }
0x20: {  	s24 =	sadd.s32 $0x3200, s3;
	_ =	strace $0x8000004A;
	[dreg:$0x13] =	wrdreg s2  }
0x21: {  	s4 =	simm.s32 $0x1;
	s25 =	sshrl.u32 s23, $0x2;
	[dreg:$0x14] =	wrdreg s24  }
0x22: {  	s3 =	simm.s32 $0x50;
	s5 =	simm.s32 $0x0;
	[dreg:$0x15] =	wrdreg s0  }
0x23: {  	s0 =	sadd.s32 s25, s17;
	s25 =	sor.u32 $0x1C02, s26;
	s26 =	sadd.s32 s11, s17  }
0x24: {  	s2 =	simm.s32 $0x2;
	[dreg:$0x16] =	wrdreg s0;
	s0 =	sadd.s32 s7, s17  }
.LBB2_1:
0x25: {  	s6 =	rddreg [dreg:$0x16]  }
0x26: {  	s7 =	rddreg [dreg:$0x4];
	s6 =	sshrl.u32 s6, $0x3  }
0x27: {  	[spmem:s6], [sflag:s25] =	dma.local [hbm:s7], $0x500  }
0x28: {  	_ =	swait.ge [sflag:s2], $0x500  }
0x29: {  	[sflag:s2] =	ssyncset.done $0x0  }
0x2a: {  	s7 =	sshrl.u32 s26, $0x3;
	s8 =	rddreg [dreg:$0x5];
	[sflag:s2] =	ssyncadd.s32 $0xFFFFFB00  }
0x2b: {  	[spmem:s7], [sflag:s25] =	dma.local [hbm:s8], $0x500  }
0x2c: {  	_ =	swait.ge [sflag:s2], $0x500  }
0x2d: {  	[sflag:s2] =	ssyncset.done $0x0  }
0x2e: {  	s8 =	sshrl.u32 s28, $0x3;
	s9 =	rddreg [dreg:$0x6];
	[sflag:s2] =	ssyncadd.s32 $0xFFFFFB00  }
0x2f: {  	[spmem:s8], [sflag:s25] =	dma.local [hbm:s9], $0x500  }
0x30: {  	_ =	swait.ge [sflag:s2], $0x500  }
0x31: {  	[sflag:s2] =	ssyncset.done $0x0  }
0x32: {  	s9 =	sshrl.u32 s29, $0x3;
	s10 =	rddreg [dreg:$0x7];
	[sflag:s2] =	ssyncadd.s32 $0xFFFFFB00  }
0x33: {  	[spmem:s9], [sflag:s25] =	dma.local [hbm:s10], $0x500  }
0x34: {  	_ =	swait.ge [sflag:s2], $0x500  }
0x35: {  	[sflag:s2] =	ssyncset.done $0x0  }
0x36: {  	s10 =	sshrl.u32 s30, $0x3;
	s11 =	rddreg [dreg:$0x8];
	[sflag:s2] =	ssyncadd.s32 $0xFFFFFB00  }
0x37: {  	[spmem:s10], [sflag:s25] =	dma.local [hbm:s11], $0x500  }
0x38: {  	_ =	swait.ge [sflag:s2], $0x500  }
0x39: {  	[sflag:s2] =	ssyncset.done $0x0  }
0x3a: {  	s11 =	sshrl.u32 s31, $0x3;
	s12 =	rddreg [dreg:$0x9];
	[sflag:s2] =	ssyncadd.s32 $0xFFFFFB00  }
0x3b: {  	[spmem:s11], [sflag:s25] =	dma.local [hbm:s12], $0x500  }
0x3c: {  	_ =	swait.ge [sflag:s2], $0x500  }
0x3d: {  	[sflag:s2] =	ssyncset.done $0x0  }
0x3e: {  	s12 =	sshrl.u32 s13, $0x3;
	s14 =	rddreg [dreg:$0xa];
	[sflag:s2] =	ssyncadd.s32 $0xFFFFFB00  }
0x3f: {  	[spmem:s12], [sflag:s25] =	dma.local [hbm:s14], $0x500  }
0x40: {  	_ =	swait.ge [sflag:s2], $0x500  }
0x41: {  	[sflag:s2] =	ssyncset.done $0x0  }
0x42: {  	s14 =	sshrl.u32 s0, $0x3;
	s15 =	rddreg [dreg:$0xb];
	[sflag:s2] =	ssyncadd.s32 $0xFFFFFB00  }
0x43: {  	[spmem:s14], [sflag:s25] =	dma.local [hbm:s15], $0x500  }
0x44: {  	_ =	swait.ge [sflag:s2], $0x500  }
0x45: {  	s16 =	simm.s32 $0x80;
	[sflag:s2] =	ssyncset.done $0x0  }
0x46: {  	s18 =	simm.s32 $0x400;
	s23 =	rddreg [dreg:$0x13];
	[sflag:s2] =	ssyncadd.s32 $0xFFFFFB00  }
0x47: {  	[tilespmem:s1], [sflag:$0x2] =	stream.strided.gather [hbm4b:s23+s16], $0x2800, s18, s16, $0x38;
	[tilespmem:$0x1F800] =	vst v63  }
0x48: {  	_ =	swait.ge [sflag:s2], $0x2800  }
0x49: {  	s24 =	simm.s32 $0x2800;
	[sflag:s2] =	ssyncset.done $0x0  }
0x4a: {  	s21 =	sand.u32 $0x1, s1;
	s19 =	rddreg [dreg:$0x14];
	[sflag:s2] =	ssyncadd.s32 $0xFFFFD800  }
0x4b: {  	[tilespmem:s24], [sflag:$0x2] =	stream.linear.gather [hbm4b:s19+s1], $0x4000, $0x38;
	[tilespmem:$0x1F800] =	vst v63  }
0x4c: {  	s22 =	sxor.u32 $0x1, s21;
	_ =	swait.ge [sflag:s2], $0x4000  }
0x4d: {  	s18 =	smul.u32 $0xA000, s22;
	[sflag:s2] =	ssyncset.done $0x0  }
0x4e: {  	[sflag:s2] =	ssyncadd.s32 $0xFFFFC000  }
0x4f: {  	s18 =	sshrl.u32 s18, $0x2;
	s19 =	simm.s32 $0x6800;
	[bflag:$0x0] =	sbarrier.arrive $0xFFFF  }
0x50: {  	[tilespmem:s19], [sflag:$0x1] =	stream.indirect.gather [hbm4b:s20+s3], $0x80, s1, s3, $0xb8;
	[tilespmem:$0x1F800] =	vst v63  }
0x51: {  	s16 =	smul.u32 $0xA000, s21;
	s18 =	sadd.s32 $0x6800, s18  }
0x52: {  	[tilespmem:s18], [sflag:$0x1] =	stream.indirect.gather [hbm4b:s20+s3], $0x80, s3, s3, $0xb8;
	[tilespmem:$0x1F800] =	vst v63  }
0x53: {  	_ =	swait.ge [sflag:s4], $0x2800  }
0x54: {  	s23 =	simm.s32 $0x1;
	s16 =	sshrl.u32 s16, $0x2;
	[sflag:s4] =	ssyncset.done $0x0  }
0x55: {  	s16 =	sadd.s32 $0x6800, s16;
	s18 =	sand.u32 $0x1, s23;
	[sflag:s4] =	ssyncadd.s32 $0xFFFFD800  }
0x56: {  	[spmem:s17] =	stream.indirect.scatter.add.f32 [tilespmem:s16], [sflag:$0x2], $0x80, s24, s3, $0xb8;
	[tilespmem:$0x1F800] =	vst v63  }
0x57: {  	s24 =	sxor.u32 $0x1, s18;
	s18 =	smul.u32 $0xA000, s18  }
0x58: {  	s21 =	smul.u32 $0xA000, s24  }
0x59: {  	s15 =	simm.s32 $0x2880;
	s19 =	simm.s32 $0x2;
	s16 =	simm.s32 $0xA0  }
.LBB2_2:
0x5a: {  	s21 =	sshrl.u32 s21, $0x2;
	s18 =	sshrl.u32 s18, $0x2  }
0x5b: {  	_ =	swait.ge [sflag:s2], $0x2800;
	s22 =	smov.u32 s19;
	s23 =	smov.u32 s15  }
0x5c: {  	s24 =	sadd.s32 $0x1, s19;
	s21 =	sadd.s32 $0x6800, s21;
	[sflag:s2] =	ssyncset.done $0x0  }
0x5d: {  	p0 =	sne.s32 s19, $0x7E;
	[sflag:s2] =	ssyncadd.s32 $0xFFFFD800  }
0x5e: {  	[tilespmem:s21], [sflag:$0x1] =	stream.indirect.gather [hbm4b:s20+s3], $0x80, s16, s3, $0xb8;
	[tilespmem:$0x1F800] =	vst v63  }
.Ltmp0:
0x5f: {  	s15 =	sadd.s32 $0x80, s15;
	s16 =	sadd.s32 $0x50, s16;
	(pc) =	sbr.rel @p0 .LBB2_2-.Ltmp0, $4  }
0x60: {  	s19 =	sand.u32 $0x1, s22;
	s22 =	sadd.s32 $0x6800, s18;
	_ =	swait.ge [sflag:s4], $0x2800  }
0x61: {  	s18 =	smul.u32 $0xA000, s19;
	s21 =	sxor.u32 $0x1, s19;
	[sflag:s4] =	ssyncset.done $0x0  }
0x62: {  	s19 =	smov.u32 s24;
	s21 =	smul.u32 $0xA000, s21;
	[sflag:s4] =	ssyncadd.s32 $0xFFFFD800  }
0x63: {  	[spmem:s17] =	stream.indirect.scatter.add.f32 [tilespmem:s22], [sflag:$0x2], $0x80, s23, s3, $0xb8;
	[tilespmem:$0x1F800] =	vst v63  }
0x64: {  	_ =	swait.ge [sflag:s2], $0x2800  }
0x65: {  	s19 =	sshrl.u32 s21, $0x2;
	[sflag:s2] =	ssyncset.done $0x0  }
0x66: {  	s19 =	sadd.s32 $0x6800, s19;
	[sflag:s2] =	ssyncadd.s32 $0xFFFFD800  }
0x67: {  	[tilespmem:s19], [sflag:$0x1] =	stream.indirect.gather [hbm4b:s20+s3], $0x80, s16, s3, $0xb8;
	[tilespmem:$0x1F800] =	vst v63  }
0x68: {  	_ =	swait.ge [sflag:s4], $0x2800  }
0x69: {  	s21 =	sshrl.u32 s18, $0x2;
	[sflag:s4] =	ssyncset.done $0x0  }
0x6a: {  	s16 =	sadd.s32 $0x6800, s21;
	[sflag:s4] =	ssyncadd.s32 $0xFFFFD800  }
0x6b: {  	[spmem:s17] =	stream.indirect.scatter.add.f32 [tilespmem:s16], [sflag:$0x2], $0x80, s15, s3, $0xb8;
	[tilespmem:$0x1F800] =	vst v63  }
0x6c: {  	_ =	swait.ge [sflag:s2], $0x2800  }
0x6d: {  	[sflag:s2] =	ssyncset.done $0x0  }
0x6e: {  	[sflag:s2] =	ssyncadd.s32 $0xFFFFD800  }
0x6f: {  	_ =	swait.ge [sflag:s4], $0x2800  }
0x70: {  	[sflag:s4] =	ssyncset.done $0x0  }
0x71: {  	s22 =	simm.s32 $0x6780;
	s23 =	simm.s32 $0x9000;
	[sflag:s4] =	ssyncadd.s32 $0xFFFFD800  }
0x72: {  	[spmem:s17] =	stream.indirect.scatter.add.f32 [tilespmem:s23], [sflag:$0x2], $0x80, s22, s3, $0xb8;
	[tilespmem:$0x1F800] =	vst v63  }
0x73: {  	_ =	swait.ge [sflag:s2], $0x2800  }
0x74: {  	[sflag:s2] =	ssyncset.done $0x0  }
0x75: {  	[sflag:s2] =	ssyncadd.s32 $0xFFFFD800  }
0x76: {  	[bflag:$0x0] =	sbarrier.arrive $0xFFFF  }
0x77: {  	s24 =	rddreg [dreg:$0x3]  }
0x78: {  	[hbm:s24], [sflag:s25] =	dma.local [spmem:s6], $0x500  }
0x79: {  	_ =	swait.ge [sflag:s2], $0x500  }
0x7a: {  	[sflag:s2] =	ssyncset.done $0x0  }
0x7b: {  	s15 =	rddreg [dreg:$0xc];
	[sflag:s2] =	ssyncadd.s32 $0xFFFFFB00  }
0x7c: {  	[hbm:s15], [sflag:s25] =	dma.local [spmem:s7], $0x500  }
0x7d: {  	_ =	swait.ge [sflag:s2], $0x500  }
0x7e: {  	[sflag:s2] =	ssyncset.done $0x0  }
0x7f: {  	s16 =	rddreg [dreg:$0xd];
	[sflag:s2] =	ssyncadd.s32 $0xFFFFFB00  }
0x80: {  	[hbm:s16], [sflag:s25] =	dma.local [spmem:s8], $0x500  }
0x81: {  	_ =	swait.ge [sflag:s2], $0x500  }
0x82: {  	[sflag:s2] =	ssyncset.done $0x0  }
0x83: {  	s18 =	rddreg [dreg:$0xe];
	[sflag:s2] =	ssyncadd.s32 $0xFFFFFB00  }
0x84: {  	[hbm:s18], [sflag:s25] =	dma.local [spmem:s9], $0x500  }
0x85: {  	_ =	swait.ge [sflag:s2], $0x500  }
0x86: {  	[sflag:s2] =	ssyncset.done $0x0  }
0x87: {  	s19 =	rddreg [dreg:$0xf];
	[sflag:s2] =	ssyncadd.s32 $0xFFFFFB00  }
0x88: {  	[hbm:s19], [sflag:s25] =	dma.local [spmem:s10], $0x500  }
0x89: {  	_ =	swait.ge [sflag:s2], $0x500  }
0x8a: {  	[sflag:s2] =	ssyncset.done $0x0  }
0x8b: {  	s21 =	rddreg [dreg:$0x10];
	[sflag:s2] =	ssyncadd.s32 $0xFFFFFB00  }
0x8c: {  	[hbm:s21], [sflag:s25] =	dma.local [spmem:s11], $0x500  }
0x8d: {  	_ =	swait.ge [sflag:s2], $0x500  }
0x8e: {  	[sflag:s2] =	ssyncset.done $0x0  }
0x8f: {  	s22 =	rddreg [dreg:$0x11];
	[sflag:s2] =	ssyncadd.s32 $0xFFFFFB00  }
0x90: {  	[hbm:s22], [sflag:s25] =	dma.local [spmem:s12], $0x500  }
0x91: {  	_ =	swait.ge [sflag:s2], $0x500  }
0x92: {  	[sflag:s2] =	ssyncset.done $0x0  }
0x93: {  	s23 =	rddreg [dreg:$0x12];
	[sflag:s2] =	ssyncadd.s32 $0xFFFFFB00  }
0x94: {  	[hbm:s23], [sflag:s25] =	dma.local [spmem:s14], $0x500  }
0x95: {  	_ =	swait.ge [sflag:s2], $0x500  }
0x96: {  	s5 =	sadd.s32 $0x1, s5;
	s24 =	rddreg [dreg:$0x15]  }
0x97: {  	p0 =	sne.s32 s5, s24  }
.Ltmp1:
0x98: {  	_ = 	snop;
	(pc) =	sbr.rel @p0 .LBB2_1-.Ltmp1, $3  }
0x99: {  	_ =	sdelay $0x1  }
0x9a: {  	[sflag:s2] =	ssyncset.done $0x0  }
0x9b: {  	[sflag:s2] =	ssyncadd.s32 $0xFFFFFB00  }
0x9c: {  	_ =	sfence.sel $0x180000  }
0x9d: {  	[bflag:$0x0] =	sbarrier.arrive $0xFFFF  }
0x9e: {  	_ =	strace $0x9000004A  }
0x9f: {  	s0 =	stileid.u32;
	[bflag:$0x2] =	sbarrier.arrive $0xFFFF  }
0xa0: {  	p0 =	sne.s32 s0, $0x0;
	s0 =	rddreg [dreg:$0x2]  }
0xa1: {  	s0 =	sadd.s32 @!p0 $0x100000, s0  }
0xa2: {  	[sflag:s0] =	ssyncadd.tile.s32 @!p0 $0x1;
	_ =	shalt  }
.Lfunc_end2:
_tile_overlayer_lowered:
.L_overlay_start_2:
0xa3: {  	(tag) =	ssettag $0x2  }
0xa4: {  	s0 =	rddreg [dreg:$0x0];
	s2 =	stileid.u32  }
0xa5: {  	s1 =	rddreg [dreg:$0x1];
	p0 =	sne.s32 s2, $0x0  }
0xa6: {  	s3 =	rddreg [dreg:$0x2];
	[bflag:$0x3] =	sbarrier.arrive $0xFFFF;
	s2 =	simm.s32 @!p0 $0x1C02  }
0xa7: {  	[timem:s3], [sflag:s2] =	dma.local @!p0 [hbm:s0], s1  }
0xa8: {  	s0 =	simm.s32 @!p0 $0x2  }
0xa9: {  	_ =	swait.ge @!p0 [sflag:s0], s1  }
0xaa: {  	s1 =	ssub.s32 @!p0 $0x0, s1;
	[sflag:s0] =	ssyncset.done @!p0 $0x0  }
0xab: {  	[sflag:s0] =	ssyncadd.s32 @!p0 s1  }
0xac: {  	[bflag:$0x3] =	sbarrier.arrive $0xFFFF  }
0xad: {  	_ =	shalt  }

// kernel: kernel.17.cloned.1.call-start
scs
__scs_entry_jumppad:
0x0: {  	(pc) =	sbr.rel $0x88, $3  }
0x1: {  	(tag) =	ssettag $0x0;
	lr =	simm.s32 $0x1  }
0x2: {  	[smem:$0x3F92] =	sst lr;
	_ =	strace $0xD0000000  }
0x3: {  	_ = 	snop  }
0x4: {  	_ = 	snop  }
0x5: {  	_ = 	snop  }
0x6: {  	_ = 	snop  }
0x7: {  	_ = 	snop  }
__scs_overlays_trampoline_lowered:
0x8: {  	[smem:$0x3FA1] =	sst s0  }
0x9: {  	[smem:$0x3FA2] =	sst s1  }
0xa: {  	[smem:$0x3FA3] =	sst s2  }
0xb: {  	[smem:$0x3FA4] =	sst s3  }
0xc: {  	[smem:$0x3FA5] =	sst s4  }
0xd: {  	[smem:$0x3FA6] =	sst s5  }
0xe: {  	[smem:$0x3FA7] =	sst s6  }
0xf: {  	[smem:$0x3FA8] =	sst s7  }
0x10: {  	[smem:$0x3FA9] =	sst s8  }
0x11: {  	[smem:$0x3FAA] =	sst s9;
	s0 =	simm.s32 @!p0 $0x0  }
0x12: {  	s1 =	sld [smem:$0x3F90];
	s0 =	simm.s32 @p0 $0x1  }
0x13: {  	[smem:$0x3FAB] =	sst s0;
	s0 =	simm.s32 @!p1 $0x0  }
0x14: {  	s2 =	sld [smem:$0x3F8F];
	s0 =	simm.s32 @p1 $0x1  }
0x15: {  	[smem:$0x3FAC] =	sst s0;
	s0 =	simm.s32 @!p2 $0x0  }
0x16: {  	s3 =	sld [smem:$0x3FDB];
	s0 =	simm.s32 @p2 $0x1  }
0x17: {  	s4 =	simm.s32 $0x1BF5;
	[smem:$0x3FAE] =	sst s0  }
0x18: {  	s0 =	sld [smem:$0x3F91];
	_ =	swait.ge [sflag:s4], $0x0  }
0x19: {  	s7 =	sld [smem:$0x3F92]  }
0x1a: {  	s8 =	sadd.s32 $0xFFFFE003, lr  }
0x1b: {  	s9 =	sadd.s32 $0xFFFFFEF7, lr;
	s5 =	simm.s32 $0xFFFFFFFF;
	p2 =	slt.u32 s8, $0xFFFFF086  }
0x1c: {  	p1 =	slt.u32 s9, $0xF7A;
	s5 =	simm.s32 @!p2 $0x0  }
0x1d: {  	s5 =	simm.s32 @p1 $0x1;
	p0 =	seq.s32 s7, s2  }
0x1e: {  	s7 =	smul.u32 @!p0 $0xF7A, s2;
	p2 =	seq.s32 @!p0 s5, $0x0  }
0x1f: {  	s9 =	smul.u32 $0xF7A, s1;
	s8 =	simm.s32 @!p0 $0x1BF5;
	p2 =	por !p2, p0  }
0x20: {  	[sflag:s8] =	ssyncset.s32 @!p0 $0xFFFFF086;
	s6 =	sadd.s32 @!p0 s3, s7;
	s7 =	simm.s32 @!p0 $0x108  }
0x21: {  	s3 =	sadd.s32 s3, s9;
	s6 =	sadd.s32 @!p0 $0x88, s6;
	s7 =	simm.s32 @p2 $0x1082  }
0x22: {  	[simem:s7], [sflag:s8] =	dma.local @!p0 [hbm:s6], $0xF7A  }
0x23: {  	s9 =	sor.u32 $0xD0000000, s2;
	s6 =	simm.s32 $0x108;
	_ =	swait.ge @!p0 [sflag:s8], $0x0  }
0x24: {  	s3 =	sadd.s32 $0x88, s3;
	s6 =	simm.s32 @!p1 $0x1082;
	[sflag:s4] =	ssyncset.s32 $0xFFFFF086  }
0x25: {  	[simem:s6], [sflag:s4] =	dma.local [hbm:s3], $0xF7A  }
0x26: {  	[smem:$0x3F92] =	sst s1;
	(tag) =	ssettag s2;
	_ =	strace s9  }
0x27: {  	s1 =	sld [smem:$0x3FA2]  }
0x28: {  	s2 =	sld [smem:$0x3FA3]  }
0x29: {  	s4 =	sld [smem:$0x3FA5]  }
0x2a: {  	p0 =	seq.s32 s5, $0x0;
	s5 =	sld [smem:$0x3FA6]  }
0x2b: {  	s6 =	sld [smem:$0x3FA7]  }
0x2c: {  	s7 =	sld [smem:$0x3FA8]  }
0x2d: {  	s3 =	simm.s32 $0x108;
	s8 =	sld [smem:$0x3FA9]  }
0x2e: {  	s3 =	simm.s32 @!p0 $0x1082;
	s9 =	sld [smem:$0x3FAA]  }
0x2f: {  	lr =	sadd.s32 s0, s3;
	s0 =	sld [smem:$0x3FA1]  }
0x30: {  	s3 =	sld [smem:$0x3FA4]  }
0x31: {  	[smem:$0x3FAD] =	sst s10  }
0x32: {  	s10 =	sld [smem:$0x3FAB];
	_ =	sdelay $0x3  }
0x33: {  	p0 =	seq.s32 s10, $0x1;
	s10 =	sld [smem:$0x3FAD];
	_ =	sdelay $0x3  }
0x34: {  	[smem:$0x3FAD] =	sst s10  }
0x35: {  	s10 =	sld [smem:$0x3FAC];
	_ =	sdelay $0x3  }
0x36: {  	p1 =	seq.s32 s10, $0x1;
	s10 =	sld [smem:$0x3FAD];
	_ =	sdelay $0x3  }
0x37: {  	[smem:$0x3FAD] =	sst s10  }
0x38: {  	s10 =	sld [smem:$0x3FAE]  }
0x39: {  	_ = 	snop;
	(pc) =	sbr.ind lr, $3  }
0x3a: {  	_ = 	snop  }
0x3b: {  	_ = 	snop  }
0x3c: {  	p2 =	seq.s32 s10, $0x1;
	s10 =	sld [smem:$0x3FAD]  }
0x3d: {  	_ =	shalt  }
0x3e: {  	_ =	shalt  }
0x3f: {  	_ =	shalt  }
0x40: {  	_ =	shalt  }
0x41: {  	_ =	shalt  }
0x42: {  	_ =	shalt  }
0x43: {  	_ =	shalt  }
0x44: {  	_ =	shalt  }
0x45: {  	_ =	shalt  }
0x46: {  	_ =	shalt  }
0x47: {  	_ =	shalt  }
0x48: {  	_ =	shalt  }
0x49: {  	_ =	shalt  }
0x4a: {  	_ =	shalt  }
0x4b: {  	_ =	shalt  }
0x4c: {  	_ =	shalt  }
0x4d: {  	_ =	shalt  }
0x4e: {  	_ =	shalt  }
0x4f: {  	_ =	shalt  }
0x50: {  	_ =	shalt  }
0x51: {  	_ =	shalt  }
0x52: {  	_ =	shalt  }
0x53: {  	_ =	shalt  }
0x54: {  	_ =	shalt  }
0x55: {  	_ =	shalt  }
0x56: {  	_ =	shalt  }
0x57: {  	_ =	shalt  }
0x58: {  	_ =	shalt  }
0x59: {  	_ =	shalt  }
0x5a: {  	_ =	shalt  }
0x5b: {  	_ =	shalt  }
0x5c: {  	_ =	shalt  }
0x5d: {  	_ =	shalt  }
0x5e: {  	_ =	shalt  }
0x5f: {  	_ =	shalt  }
0x60: {  	_ =	shalt  }
0x61: {  	_ =	shalt  }
0x62: {  	_ =	shalt  }
0x63: {  	_ =	shalt  }
0x64: {  	_ =	shalt  }
0x65: {  	_ =	shalt  }
0x66: {  	_ =	shalt  }
0x67: {  	_ =	shalt  }
0x68: {  	_ =	shalt  }
0x69: {  	_ =	shalt  }
0x6a: {  	_ =	shalt  }
0x6b: {  	_ =	shalt  }
0x6c: {  	_ =	shalt  }
0x6d: {  	_ =	shalt  }
0x6e: {  	_ =	shalt  }
0x6f: {  	_ =	shalt  }
0x70: {  	_ =	shalt  }
0x71: {  	_ =	shalt  }
0x72: {  	_ =	shalt  }
0x73: {  	_ =	shalt  }
0x74: {  	_ =	shalt  }
0x75: {  	_ =	shalt  }
0x76: {  	_ =	shalt  }
0x77: {  	_ =	shalt  }
0x78: {  	_ =	shalt  }
0x79: {  	_ =	shalt  }
0x7a: {  	_ =	shalt  }
0x7b: {  	_ =	shalt  }
0x7c: {  	_ =	shalt  }
0x7d: {  	_ =	shalt  }
0x7e: {  	_ =	shalt  }
0x7f: {  	_ =	shalt  }
0x80: {  	_ =	shalt  }
0x81: {  	_ =	shalt  }
0x82: {  	_ =	shalt  }
0x83: {  	_ =	shalt  }
0x84: {  	_ =	shalt  }
0x85: {  	_ =	shalt  }
0x86: {  	_ =	shalt  }
0x87: {  	_ =	shalt  }
.Lfunc_end0:
.L_simem_size_0:
called_computation.2_lowered:
.L_overlay_start_0:
0x88: {  	s2 =	sld [smem:$0x3FD9]  }
0x89: {  	s3 =	sld [smem:$0x3FFE];
	_ =	sdelay $0x1  }
0x8a: {  	s1 =	srdreg.scid  }
0x8b: {  	s0 =	sand.u32 $0x1, s1  }
0x8c: {  	s16 =	sshll.u32 s0, $0xA;
	s2 =	sadd.s32 s3, s2  }
0x8d: {  	s2 =	sadd.s32 s2, s16  }
0x8e: {  	[smem:$0x3FB9] =	sst s2  }
0x8f: {  	_ = 	snop  }
0x90: {  	(tm) =	ssettm $0x1  }
0x91: {  	s17 =	sld [smem:$0x3FFB];
	_ =	sdelay $0x3  }
0x92: {  	_ =	strace s17  }
0x93: {  	s2 =	sld [smem:$0x3FFC];
	_ =	sdelay $0x3  }
0x94: {  	_ =	strace s2  }
0x95: {  	s2 =	sld [smem:$0x3FFD];
	_ =	sdelay $0x3  }
0x96: {  	_ =	strace s2  }
0x97: {  	_ =	strace $0x8FFFFFFF  }
0x98: {  	s18 =	sld [smem:$0x3FDB];
	_ =	sdelay $0x1  }
0x99: {  	s19 =	simm.s32 $_scs_section_size  }
0x9a: {  	s4 =	simm.s32 $_size__tile_overlayer_lowered;
	s5 =	simm.s32 $_tile_overlayer_lowered  }
0x9b: {  	s22 =	simm.s32 $0x1BFF;
	s21 =	sshll.u32 s5, $0x1;
	s2 =	sadd.s32 s19, s18  }
0x9c: {  	s6 =	simm.s32 $0x0;
	s20 =	sshll.u32 s4, $0x1;
	s4 =	sadd.s32 s21, s2  }
0x9d: {  	[timem:s6], [sflag:s22] =	dma.local [hbm:s4], s20  }
0x9e: {  	_ =	swait.ge [sflag:s22], s20  }
0x9f: {  	s3 =	ssub.s32 $0x0, s20;
	[sflag:s22] =	ssyncset.done $0x0  }
0xa0: {  	[sflag:s22] =	ssyncadd.s32 s3;
	_ =	sdelay $0x1  }
0xa1: {  	s23 =	simm.s32 $0x1B8B  }
0xa2: {  	_ =	swait.ge [sflag:s23], $0x1  }
0xa3: {  	[sflag:s23] =	ssyncset.done $0x0  }
0xa4: {  	s25 =	simm.s32 $0x1B8E;
	s24 =	sld [smem:$0x3FFE];
	[sflag:s23] =	ssyncadd.s32 $0xFFFFFFFF  }
0xa5: {  	s26 =	simm.s32 $execute0_lowered;
	[smem:$0x3FD2] =	sst s25  }
0xa6: {  	s4 =	sshll.u32 s26, $0x1;
	_ =	strace $0x8000004C;
	[dreg:$0x1] =	wrdreg $0xFFFFFFFF  }
0xa7: {  	s28 =	simm.s32 $_size_execute0_lowered;
	s2 =	sadd.s32 s2, s4;
	[dreg:$0x0] =	wrdreg $0x0  }
0xa8: {  	s4 =	sshll.u32 s28, $0x1;
	[dreg:$0x2] =	wrdreg s2  }
0xa9: {  	[dreg:$0x3] =	wrdreg s4  }
0xaa: {  	[dreg:$0x4] =	wrdreg $0xC0  }
0xab: {  	_ =	task [dreg:s6], $0x5FFFF  }
0xac: {  	[dreg:$0x1] =	wrdreg $0xFFFFFFFF  }
0xad: {  	[dreg:$0x0] =	wrdreg $0x60  }
0xae: {  	[dreg:$0x2] =	wrdreg s24  }
0xaf: {  	[dreg:$0x3] =	wrdreg $0xB8000  }
0xb0: {  	[dreg:$0x4] =	wrdreg $0x9  }
0xb1: {  	_ =	task.clear_ibuf [dreg:s6], $0x5FFFF;
	_ =	strace $0x9000004C  }
0xb2: {  	s29 =	simm.s32 $0x9;
	_ =	strace $0x8000004E  }
0xb3: {  	_ =	swait.ge [sflag:s29], $0x1  }
0xb4: {  	[sflag:s29] =	ssyncadd.s32 $0xFFFFFFFF  }
0xb5: {  	_ =	strace $0x9000004E  }
0xb6: {  	_ =	sfence  }
0xb7: {  	s30 =	sld [smem:$0x0];
	_ =	sdelay $0x2  }
0xb8: {  	s31 =	sshll.u32 s1, $0xD;
	s1 =	sshrl.u32 s1, $0x2  }
0xb9: {  	s3 =	sand.u32 $0x4000, s31;
	s1 =	sadd.s32 s1, s30  }
0xba: {  	s0 =	sor.u32 s3, s0;
	s1 =	sshll.u32 s1, $0x11  }
0xbb: {  	s0 =	sor.u32 s1, s0  }
0xbc: {  	s0 =	sadd.s32 $0x8F2B, s0  }
0xbd: {  	[sflag:s0] =	ssyncadd.remote.s32 $0x1  }
0xbe: {  	_ =	sfence.sel $0xFFFF  }
0xbf: {  	[dreg:$0x0] =	wrdreg $0xFFFFFFFF;
	(pc) =	sbr.abs _section_cstart, $3  }
0xc0: {  	[dreg:$0x1] =	wrdreg $0xFFFFFFFF  }
0xc1: {  	_ =	task.clear_ibuf [dreg:s6], $0x2FFFF;
	_ =	strace $0x9FFFFFFF  }
0xc2: {  	(tm) =	ssettm $0x7FFFFFFF  }
0xc3: {  	_ =	shalt  }
tec
execute0_lowered:
.L_overlay_start_1:
0x0: {  	(tag) =	ssettag $0x1  }
0x1: {  	s0 =	srdreg.scid  }
0x2: {  	s21 =	stileid.u32;
	s4 =	rddreg [dreg:$0x0]  }
0x3: {  	s0 =	sand.u32 $0x1, s0;
	s2 =	sshrl.u32 s21, $0x2;
	s7 =	smul.u32 $0x14000, s21  }
0x4: {  	s1 =	sshll.u32 s21, $0x1;
	s8 =	sadd.s32 $0x94400, s4;
	s2 =	smul.u32 $0x14000, s2  }
0x5: {  	s3 =	sor.u32 s0, s1;
	s6 =	smul.u32 $0x140000, s0;
	s1 =	simm.s32 $0x0  }
0x6: {  	s0 =	ssub.s32 $0x2, s0;
	s5 =	sshll.u32 s3, $0x7;
	[smem:$0x7FF] =	sst s1  }
0x7: {  	s10 =	sshrl.u32 s0, $0x1;
	s11 =	sor.u32 $0x2800, s7;
	s13 =	sadd.s32 $0x7800, s7  }
0x8: {  	s15 =	sadd.s32 $0xA000, s7;
	s18 =	sadd.s32 $0xC800, s7;
	s3 =	sshll.u32 s3, $0xB  }
0x9: {  	s5 =	sand.u32 $0x380, s5;
	s9 =	sadd.s32 s6, s7;
	s0 =	ssub.s32 s0, s10  }
0xa: {  	s20 =	sadd.s32 s6, s11;
	s10 =	sadd.s32 $0x5000, s7;
	s14 =	sadd.s32 s6, s13  }
0xb: {  	s23 =	sadd.s32 s6, s15;
	s17 =	sadd.s32 s6, s18;
	s3 =	sadd.s32 s3, s4  }
0xc: {  	s2 =	sor.u32 s2, s5;
	s5 =	sadd.s32 $0x1D200, s4;
	s9 =	sshrl.u32 s9, $0x3  }
0xd: {  	s22 =	sadd.s32 s6, s10;
	s14 =	sshrl.u32 s14, $0x3;
	s19 =	sadd.s32 s8, s9  }
0xe: {  	s17 =	sshrl.u32 s17, $0x3;
	s9 =	sadd.s32 s5, s9;
	[dreg:$0x3] =	wrdreg s19  }
0xf: {  	s0 =	smax.u32 s0, $0x1;
	s25 =	sadd.s32 s5, s17;
	[dreg:$0x4] =	wrdreg s9  }
0x10: {  	s17 =	sadd.s32 s8, s17;
	s2 =	sshrl.u32 s2, $0x3;
	[dreg:$0x9] =	wrdreg s25  }
0x11: {  	s9 =	sshrl.u32 s20, $0x3;
	s19 =	sadd.s32 $0xF000, s7;
	[dreg:$0x10] =	wrdreg s17  }
0x12: {  	s7 =	sadd.s32 $0x11800, s7;
	s17 =	rddreg [dreg:$0x1];
	s2 =	sadd.s32 s2, s4  }
0x13: {  	s12 =	sadd.s32 s5, s9;
	s20 =	sadd.s32 s6, s19;
	s6 =	sadd.s32 s6, s7  }
0x14: {  	s9 =	sadd.s32 s8, s9;
	s2 =	sadd.s32 $0x13200, s2;
	[dreg:$0x5] =	wrdreg s12  }
0x15: {  	s12 =	sshrl.u32 s22, $0x3;
	s22 =	sadd.s32 s5, s14;
	[dreg:$0xc] =	wrdreg s9  }
0x16: {  	s28 =	sadd.s32 s10, s17;
	s14 =	sadd.s32 s8, s14;
	[dreg:$0x7] =	wrdreg s22  }
0x17: {  	s20 =	sshrl.u32 s20, $0x3;
	s16 =	sadd.s32 s5, s12;
	[dreg:$0xe] =	wrdreg s14  }
0x18: {  	s29 =	sadd.s32 s13, s17;
	s26 =	sadd.s32 s5, s20;
	[dreg:$0x6] =	wrdreg s16  }
0x19: {  	s30 =	sadd.s32 s15, s17;
	s12 =	sadd.s32 s8, s12;
	[dreg:$0xa] =	wrdreg s26  }
0x1a: {  	s6 =	sshrl.u32 s6, $0x3;
	s20 =	sadd.s32 s8, s20;
	[dreg:$0xd] =	wrdreg s12  }
0x1b: {  	s22 =	sadd.s32 s8, s6;
	s16 =	sshrl.u32 s23, $0x3;
	[dreg:$0x11] =	wrdreg s20  }
0x1c: {  	s31 =	sadd.s32 s18, s17;
	[dreg:$0x12] =	wrdreg s22;
	s24 =	sadd.s32 s5, s16  }
0x1d: {  	s13 =	sadd.s32 s19, s17;
	s5 =	sadd.s32 s5, s6;
	[dreg:$0x8] =	wrdreg s24  }
0x1e: {  	s23 =	smul.u32 $0x50000, s21;
	s16 =	sadd.s32 s8, s16;
	[dreg:$0xb] =	wrdreg s5  }
0x1f: {  	s20 =	sadd.s32 $0x6D200, s4;
	s26 =	sshll.u32 s21, $0x6;
	[dreg:$0xf] =	wrdreg s16  }
0x20: {  	s24 =	sadd.s32 $0x3200, s3;
	_ =	strace $0x8000004D;
	[dreg:$0x13] =	wrdreg s2  }
0x21: {  	s4 =	simm.s32 $0x1;
	s25 =	sshrl.u32 s23, $0x2;
	[dreg:$0x14] =	wrdreg s24  }
0x22: {  	s3 =	simm.s32 $0x50;
	s5 =	simm.s32 $0x0;
	[dreg:$0x15] =	wrdreg s0  }
0x23: {  	s0 =	sadd.s32 s25, s17;
	s25 =	sor.u32 $0x1C02, s26;
	s26 =	sadd.s32 s11, s17  }
0x24: {  	s2 =	simm.s32 $0x2;
	[dreg:$0x16] =	wrdreg s0;
	s0 =	sadd.s32 s7, s17  }
.LBB2_1:
0x25: {  	s6 =	rddreg [dreg:$0x16]  }
0x26: {  	s7 =	rddreg [dreg:$0x4];
	s6 =	sshrl.u32 s6, $0x3  }
0x27: {  	[spmem:s6], [sflag:s25] =	dma.local [hbm:s7], $0x500  }
0x28: {  	_ =	swait.ge [sflag:s2], $0x500  }
0x29: {  	[sflag:s2] =	ssyncset.done $0x0  }
0x2a: {  	s7 =	sshrl.u32 s26, $0x3;
	s8 =	rddreg [dreg:$0x5];
	[sflag:s2] =	ssyncadd.s32 $0xFFFFFB00  }
0x2b: {  	[spmem:s7], [sflag:s25] =	dma.local [hbm:s8], $0x500  }
0x2c: {  	_ =	swait.ge [sflag:s2], $0x500  }
0x2d: {  	[sflag:s2] =	ssyncset.done $0x0  }
0x2e: {  	s8 =	sshrl.u32 s28, $0x3;
	s9 =	rddreg [dreg:$0x6];
	[sflag:s2] =	ssyncadd.s32 $0xFFFFFB00  }
0x2f: {  	[spmem:s8], [sflag:s25] =	dma.local [hbm:s9], $0x500  }
0x30: {  	_ =	swait.ge [sflag:s2], $0x500  }
0x31: {  	[sflag:s2] =	ssyncset.done $0x0  }
0x32: {  	s9 =	sshrl.u32 s29, $0x3;
	s10 =	rddreg [dreg:$0x7];
	[sflag:s2] =	ssyncadd.s32 $0xFFFFFB00  }
0x33: {  	[spmem:s9], [sflag:s25] =	dma.local [hbm:s10], $0x500  }
0x34: {  	_ =	swait.ge [sflag:s2], $0x500  }
0x35: {  	[sflag:s2] =	ssyncset.done $0x0  }
0x36: {  	s10 =	sshrl.u32 s30, $0x3;
	s11 =	rddreg [dreg:$0x8];
	[sflag:s2] =	ssyncadd.s32 $0xFFFFFB00  }
0x37: {  	[spmem:s10], [sflag:s25] =	dma.local [hbm:s11], $0x500  }
0x38: {  	_ =	swait.ge [sflag:s2], $0x500  }
0x39: {  	[sflag:s2] =	ssyncset.done $0x0  }
0x3a: {  	s11 =	sshrl.u32 s31, $0x3;
	s12 =	rddreg [dreg:$0x9];
	[sflag:s2] =	ssyncadd.s32 $0xFFFFFB00  }
0x3b: {  	[spmem:s11], [sflag:s25] =	dma.local [hbm:s12], $0x500  }
0x3c: {  	_ =	swait.ge [sflag:s2], $0x500  }
0x3d: {  	[sflag:s2] =	ssyncset.done $0x0  }
0x3e: {  	s12 =	sshrl.u32 s13, $0x3;
	s14 =	rddreg [dreg:$0xa];
	[sflag:s2] =	ssyncadd.s32 $0xFFFFFB00  }
0x3f: {  	[spmem:s12], [sflag:s25] =	dma.local [hbm:s14], $0x500  }
0x40: {  	_ =	swait.ge [sflag:s2], $0x500  }
0x41: {  	[sflag:s2] =	ssyncset.done $0x0  }
0x42: {  	s14 =	sshrl.u32 s0, $0x3;
	s15 =	rddreg [dreg:$0xb];
	[sflag:s2] =	ssyncadd.s32 $0xFFFFFB00  }
0x43: {  	[spmem:s14], [sflag:s25] =	dma.local [hbm:s15], $0x500  }
0x44: {  	_ =	swait.ge [sflag:s2], $0x500  }
0x45: {  	s16 =	simm.s32 $0x80;
	[sflag:s2] =	ssyncset.done $0x0  }
0x46: {  	s18 =	simm.s32 $0x400;
	s23 =	rddreg [dreg:$0x13];
	[sflag:s2] =	ssyncadd.s32 $0xFFFFFB00  }
0x47: {  	[tilespmem:s1], [sflag:$0x2] =	stream.strided.gather [hbm4b:s23+s16], $0x2800, s18, s16, $0x38;
	[tilespmem:$0x1F800] =	vst v63  }
0x48: {  	_ =	swait.ge [sflag:s2], $0x2800  }
0x49: {  	s24 =	simm.s32 $0x2800;
	[sflag:s2] =	ssyncset.done $0x0  }
0x4a: {  	s21 =	sand.u32 $0x1, s1;
	s19 =	rddreg [dreg:$0x14];
	[sflag:s2] =	ssyncadd.s32 $0xFFFFD800  }
0x4b: {  	[tilespmem:s24], [sflag:$0x2] =	stream.linear.gather [hbm4b:s19+s1], $0x4000, $0x38;
	[tilespmem:$0x1F800] =	vst v63  }
0x4c: {  	s22 =	sxor.u32 $0x1, s21;
	_ =	swait.ge [sflag:s2], $0x4000  }
0x4d: {  	s18 =	smul.u32 $0xA000, s22;
	[sflag:s2] =	ssyncset.done $0x0  }
0x4e: {  	[sflag:s2] =	ssyncadd.s32 $0xFFFFC000  }
0x4f: {  	s18 =	sshrl.u32 s18, $0x2;
	s19 =	simm.s32 $0x6800;
	[bflag:$0x0] =	sbarrier.arrive $0xFFFF  }
0x50: {  	[tilespmem:s19], [sflag:$0x1] =	stream.indirect.gather [hbm4b:s20+s3], $0x80, s1, s3, $0xb8;
	[tilespmem:$0x1F800] =	vst v63  }
0x51: {  	s16 =	smul.u32 $0xA000, s21;
	s18 =	sadd.s32 $0x6800, s18  }
0x52: {  	[tilespmem:s18], [sflag:$0x1] =	stream.indirect.gather [hbm4b:s20+s3], $0x80, s3, s3, $0xb8;
	[tilespmem:$0x1F800] =	vst v63  }
0x53: {  	_ =	swait.ge [sflag:s4], $0x2800  }
0x54: {  	s23 =	simm.s32 $0x1;
	s16 =	sshrl.u32 s16, $0x2;
	[sflag:s4] =	ssyncset.done $0x0  }
0x55: {  	s16 =	sadd.s32 $0x6800, s16;
	s18 =	sand.u32 $0x1, s23;
	[sflag:s4] =	ssyncadd.s32 $0xFFFFD800  }
0x56: {  	[spmem:s17] =	stream.indirect.scatter.add.f32 [tilespmem:s16], [sflag:$0x2], $0x80, s24, s3, $0xb8;
	[tilespmem:$0x1F800] =	vst v63  }
0x57: {  	s24 =	sxor.u32 $0x1, s18;
	s18 =	smul.u32 $0xA000, s18  }
0x58: {  	s21 =	smul.u32 $0xA000, s24  }
0x59: {  	s15 =	simm.s32 $0x2880;
	s19 =	simm.s32 $0x2;
	s16 =	simm.s32 $0xA0  }
.LBB2_2:
0x5a: {  	s21 =	sshrl.u32 s21, $0x2;
	s18 =	sshrl.u32 s18, $0x2  }
0x5b: {  	_ =	swait.ge [sflag:s2], $0x2800;
	s22 =	smov.u32 s19;
	s23 =	smov.u32 s15  }
0x5c: {  	s24 =	sadd.s32 $0x1, s19;
	s21 =	sadd.s32 $0x6800, s21;
	[sflag:s2] =	ssyncset.done $0x0  }
0x5d: {  	p0 =	sne.s32 s19, $0x7E;
	[sflag:s2] =	ssyncadd.s32 $0xFFFFD800  }
0x5e: {  	[tilespmem:s21], [sflag:$0x1] =	stream.indirect.gather [hbm4b:s20+s3], $0x80, s16, s3, $0xb8;
	[tilespmem:$0x1F800] =	vst v63  }
.Ltmp0:
0x5f: {  	s15 =	sadd.s32 $0x80, s15;
	s16 =	sadd.s32 $0x50, s16;
	(pc) =	sbr.rel @p0 .LBB2_2-.Ltmp0, $4  }
0x60: {  	s19 =	sand.u32 $0x1, s22;
	s22 =	sadd.s32 $0x6800, s18;
	_ =	swait.ge [sflag:s4], $0x2800  }
0x61: {  	s18 =	smul.u32 $0xA000, s19;
	s21 =	sxor.u32 $0x1, s19;
	[sflag:s4] =	ssyncset.done $0x0  }
0x62: {  	s19 =	smov.u32 s24;
	s21 =	smul.u32 $0xA000, s21;
	[sflag:s4] =	ssyncadd.s32 $0xFFFFD800  }
0x63: {  	[spmem:s17] =	stream.indirect.scatter.add.f32 [tilespmem:s22], [sflag:$0x2], $0x80, s23, s3, $0xb8;
	[tilespmem:$0x1F800] =	vst v63  }
0x64: {  	_ =	swait.ge [sflag:s2], $0x2800  }
0x65: {  	s19 =	sshrl.u32 s21, $0x2;
	[sflag:s2] =	ssyncset.done $0x0  }
0x66: {  	s19 =	sadd.s32 $0x6800, s19;
	[sflag:s2] =	ssyncadd.s32 $0xFFFFD800  }
0x67: {  	[tilespmem:s19], [sflag:$0x1] =	stream.indirect.gather [hbm4b:s20+s3], $0x80, s16, s3, $0xb8;
	[tilespmem:$0x1F800] =	vst v63  }
0x68: {  	_ =	swait.ge [sflag:s4], $0x2800  }
0x69: {  	s21 =	sshrl.u32 s18, $0x2;
	[sflag:s4] =	ssyncset.done $0x0  }
0x6a: {  	s16 =	sadd.s32 $0x6800, s21;
	[sflag:s4] =	ssyncadd.s32 $0xFFFFD800  }
0x6b: {  	[spmem:s17] =	stream.indirect.scatter.add.f32 [tilespmem:s16], [sflag:$0x2], $0x80, s15, s3, $0xb8;
	[tilespmem:$0x1F800] =	vst v63  }
0x6c: {  	_ =	swait.ge [sflag:s2], $0x2800  }
0x6d: {  	[sflag:s2] =	ssyncset.done $0x0  }
0x6e: {  	[sflag:s2] =	ssyncadd.s32 $0xFFFFD800  }
0x6f: {  	_ =	swait.ge [sflag:s4], $0x2800  }
0x70: {  	[sflag:s4] =	ssyncset.done $0x0  }
0x71: {  	s22 =	simm.s32 $0x6780;
	s23 =	simm.s32 $0x9000;
	[sflag:s4] =	ssyncadd.s32 $0xFFFFD800  }
0x72: {  	[spmem:s17] =	stream.indirect.scatter.add.f32 [tilespmem:s23], [sflag:$0x2], $0x80, s22, s3, $0xb8;
	[tilespmem:$0x1F800] =	vst v63  }
0x73: {  	_ =	swait.ge [sflag:s2], $0x2800  }
0x74: {  	[sflag:s2] =	ssyncset.done $0x0  }
0x75: {  	[sflag:s2] =	ssyncadd.s32 $0xFFFFD800  }
0x76: {  	[bflag:$0x0] =	sbarrier.arrive $0xFFFF  }
0x77: {  	s24 =	rddreg [dreg:$0x3]  }
0x78: {  	[hbm:s24], [sflag:s25] =	dma.local [spmem:s6], $0x500  }
0x79: {  	_ =	swait.ge [sflag:s2], $0x500  }
0x7a: {  	[sflag:s2] =	ssyncset.done $0x0  }
0x7b: {  	s15 =	rddreg [dreg:$0xc];
	[sflag:s2] =	ssyncadd.s32 $0xFFFFFB00  }
0x7c: {  	[hbm:s15], [sflag:s25] =	dma.local [spmem:s7], $0x500  }
0x7d: {  	_ =	swait.ge [sflag:s2], $0x500  }
0x7e: {  	[sflag:s2] =	ssyncset.done $0x0  }
0x7f: {  	s16 =	rddreg [dreg:$0xd];
	[sflag:s2] =	ssyncadd.s32 $0xFFFFFB00  }
0x80: {  	[hbm:s16], [sflag:s25] =	dma.local [spmem:s8], $0x500  }
0x81: {  	_ =	swait.ge [sflag:s2], $0x500  }
0x82: {  	[sflag:s2] =	ssyncset.done $0x0  }
0x83: {  	s18 =	rddreg [dreg:$0xe];
	[sflag:s2] =	ssyncadd.s32 $0xFFFFFB00  }
0x84: {  	[hbm:s18], [sflag:s25] =	dma.local [spmem:s9], $0x500  }
0x85: {  	_ =	swait.ge [sflag:s2], $0x500  }
0x86: {  	[sflag:s2] =	ssyncset.done $0x0  }
0x87: {  	s19 =	rddreg [dreg:$0xf];
	[sflag:s2] =	ssyncadd.s32 $0xFFFFFB00  }
0x88: {  	[hbm:s19], [sflag:s25] =	dma.local [spmem:s10], $0x500  }
0x89: {  	_ =	swait.ge [sflag:s2], $0x500  }
0x8a: {  	[sflag:s2] =	ssyncset.done $0x0  }
0x8b: {  	s21 =	rddreg [dreg:$0x10];
	[sflag:s2] =	ssyncadd.s32 $0xFFFFFB00  }
0x8c: {  	[hbm:s21], [sflag:s25] =	dma.local [spmem:s11], $0x500  }
0x8d: {  	_ =	swait.ge [sflag:s2], $0x500  }
0x8e: {  	[sflag:s2] =	ssyncset.done $0x0  }
0x8f: {  	s22 =	rddreg [dreg:$0x11];
	[sflag:s2] =	ssyncadd.s32 $0xFFFFFB00  }
0x90: {  	[hbm:s22], [sflag:s25] =	dma.local [spmem:s12], $0x500  }
0x91: {  	_ =	swait.ge [sflag:s2], $0x500  }
0x92: {  	[sflag:s2] =	ssyncset.done $0x0  }
0x93: {  	s23 =	rddreg [dreg:$0x12];
	[sflag:s2] =	ssyncadd.s32 $0xFFFFFB00  }
0x94: {  	[hbm:s23], [sflag:s25] =	dma.local [spmem:s14], $0x500  }
0x95: {  	_ =	swait.ge [sflag:s2], $0x500  }
0x96: {  	s5 =	sadd.s32 $0x1, s5;
	s24 =	rddreg [dreg:$0x15]  }
0x97: {  	p0 =	sne.s32 s5, s24  }
.Ltmp1:
0x98: {  	_ = 	snop;
	(pc) =	sbr.rel @p0 .LBB2_1-.Ltmp1, $3  }
0x99: {  	_ =	sdelay $0x1  }
0x9a: {  	[sflag:s2] =	ssyncset.done $0x0  }
0x9b: {  	[sflag:s2] =	ssyncadd.s32 $0xFFFFFB00  }
0x9c: {  	_ =	sfence.sel $0x180000  }
0x9d: {  	[bflag:$0x0] =	sbarrier.arrive $0xFFFF  }
0x9e: {  	_ =	strace $0x9000004D  }
0x9f: {  	s0 =	stileid.u32;
	[bflag:$0x2] =	sbarrier.arrive $0xFFFF  }
0xa0: {  	p0 =	sne.s32 s0, $0x0;
	s0 =	rddreg [dreg:$0x2]  }
0xa1: {  	s0 =	sadd.s32 @!p0 $0x100000, s0  }
0xa2: {  	[sflag:s0] =	ssyncadd.tile.s32 @!p0 $0x1;
	_ =	shalt  }
.Lfunc_end2:
_tile_overlayer_lowered:
.L_overlay_start_2:
0xa3: {  	(tag) =	ssettag $0x2  }
0xa4: {  	s0 =	rddreg [dreg:$0x0];
	s2 =	stileid.u32  }
0xa5: {  	s1 =	rddreg [dreg:$0x1];
	p0 =	sne.s32 s2, $0x0  }
0xa6: {  	s3 =	rddreg [dreg:$0x2];
	[bflag:$0x3] =	sbarrier.arrive $0xFFFF;
	s2 =	simm.s32 @!p0 $0x1C02  }
0xa7: {  	[timem:s3], [sflag:s2] =	dma.local @!p0 [hbm:s0], s1  }
0xa8: {  	s0 =	simm.s32 @!p0 $0x2  }
0xa9: {  	_ =	swait.ge @!p0 [sflag:s0], s1  }
0xaa: {  	s1 =	ssub.s32 @!p0 $0x0, s1;
	[sflag:s0] =	ssyncset.done @!p0 $0x0  }
0xab: {  	[sflag:s0] =	ssyncadd.s32 @!p0 s1  }
0xac: {  	[bflag:$0x3] =	sbarrier.arrive $0xFFFF  }
0xad: {  	_ =	shalt  }

// kernel: kernel.20.cloned.1.call-start
scs
__scs_entry_jumppad:
0x0: {  	(pc) =	sbr.rel $0x88, $3  }
0x1: {  	(tag) =	ssettag $0x0;
	lr =	simm.s32 $0x1  }
0x2: {  	[smem:$0x3F92] =	sst lr;
	_ =	strace $0xD0000000  }
0x3: {  	_ = 	snop  }
0x4: {  	_ = 	snop  }
0x5: {  	_ = 	snop  }
0x6: {  	_ = 	snop  }
0x7: {  	_ = 	snop  }
__scs_overlays_trampoline_lowered:
0x8: {  	[smem:$0x3FA1] =	sst s0  }
0x9: {  	[smem:$0x3FA2] =	sst s1  }
0xa: {  	[smem:$0x3FA3] =	sst s2  }
0xb: {  	[smem:$0x3FA4] =	sst s3  }
0xc: {  	[smem:$0x3FA5] =	sst s4  }
0xd: {  	[smem:$0x3FA6] =	sst s5  }
0xe: {  	[smem:$0x3FA7] =	sst s6  }
0xf: {  	[smem:$0x3FA8] =	sst s7  }
0x10: {  	[smem:$0x3FA9] =	sst s8  }
0x11: {  	[smem:$0x3FAA] =	sst s9;
	s0 =	simm.s32 @!p0 $0x0  }
0x12: {  	s1 =	sld [smem:$0x3F90];
	s0 =	simm.s32 @p0 $0x1  }
0x13: {  	[smem:$0x3FAB] =	sst s0;
	s0 =	simm.s32 @!p1 $0x0  }
0x14: {  	s2 =	sld [smem:$0x3F8F];
	s0 =	simm.s32 @p1 $0x1  }
0x15: {  	[smem:$0x3FAC] =	sst s0;
	s0 =	simm.s32 @!p2 $0x0  }
0x16: {  	s3 =	sld [smem:$0x3FDB];
	s0 =	simm.s32 @p2 $0x1  }
0x17: {  	s4 =	simm.s32 $0x1BF5;
	[smem:$0x3FAE] =	sst s0  }
0x18: {  	s0 =	sld [smem:$0x3F91];
	_ =	swait.ge [sflag:s4], $0x0  }
0x19: {  	s7 =	sld [smem:$0x3F92]  }
0x1a: {  	s8 =	sadd.s32 $0xFFFFE003, lr  }
0x1b: {  	s9 =	sadd.s32 $0xFFFFFEF7, lr;
	s5 =	simm.s32 $0xFFFFFFFF;
	p2 =	slt.u32 s8, $0xFFFFF086  }
0x1c: {  	p1 =	slt.u32 s9, $0xF7A;
	s5 =	simm.s32 @!p2 $0x0  }
0x1d: {  	s5 =	simm.s32 @p1 $0x1;
	p0 =	seq.s32 s7, s2  }
0x1e: {  	s7 =	smul.u32 @!p0 $0xF7A, s2;
	p2 =	seq.s32 @!p0 s5, $0x0  }
0x1f: {  	s9 =	smul.u32 $0xF7A, s1;
	s8 =	simm.s32 @!p0 $0x1BF5;
	p2 =	por !p2, p0  }
0x20: {  	[sflag:s8] =	ssyncset.s32 @!p0 $0xFFFFF086;
	s6 =	sadd.s32 @!p0 s3, s7;
	s7 =	simm.s32 @!p0 $0x108  }
0x21: {  	s3 =	sadd.s32 s3, s9;
	s6 =	sadd.s32 @!p0 $0x88, s6;
	s7 =	simm.s32 @p2 $0x1082  }
0x22: {  	[simem:s7], [sflag:s8] =	dma.local @!p0 [hbm:s6], $0xF7A  }
0x23: {  	s9 =	sor.u32 $0xD0000000, s2;
	s6 =	simm.s32 $0x108;
	_ =	swait.ge @!p0 [sflag:s8], $0x0  }
0x24: {  	s3 =	sadd.s32 $0x88, s3;
	s6 =	simm.s32 @!p1 $0x1082;
	[sflag:s4] =	ssyncset.s32 $0xFFFFF086  }
0x25: {  	[simem:s6], [sflag:s4] =	dma.local [hbm:s3], $0xF7A  }
0x26: {  	[smem:$0x3F92] =	sst s1;
	(tag) =	ssettag s2;
	_ =	strace s9  }
0x27: {  	s1 =	sld [smem:$0x3FA2]  }
0x28: {  	s2 =	sld [smem:$0x3FA3]  }
0x29: {  	s4 =	sld [smem:$0x3FA5]  }
0x2a: {  	p0 =	seq.s32 s5, $0x0;
	s5 =	sld [smem:$0x3FA6]  }
0x2b: {  	s6 =	sld [smem:$0x3FA7]  }
0x2c: {  	s7 =	sld [smem:$0x3FA8]  }
0x2d: {  	s3 =	simm.s32 $0x108;
	s8 =	sld [smem:$0x3FA9]  }
0x2e: {  	s3 =	simm.s32 @!p0 $0x1082;
	s9 =	sld [smem:$0x3FAA]  }
0x2f: {  	lr =	sadd.s32 s0, s3;
	s0 =	sld [smem:$0x3FA1]  }
0x30: {  	s3 =	sld [smem:$0x3FA4]  }
0x31: {  	[smem:$0x3FAD] =	sst s10  }
0x32: {  	s10 =	sld [smem:$0x3FAB];
	_ =	sdelay $0x3  }
0x33: {  	p0 =	seq.s32 s10, $0x1;
	s10 =	sld [smem:$0x3FAD];
	_ =	sdelay $0x3  }
0x34: {  	[smem:$0x3FAD] =	sst s10  }
0x35: {  	s10 =	sld [smem:$0x3FAC];
	_ =	sdelay $0x3  }
0x36: {  	p1 =	seq.s32 s10, $0x1;
	s10 =	sld [smem:$0x3FAD];
	_ =	sdelay $0x3  }
0x37: {  	[smem:$0x3FAD] =	sst s10  }
0x38: {  	s10 =	sld [smem:$0x3FAE]  }
0x39: {  	_ = 	snop;
	(pc) =	sbr.ind lr, $3  }
0x3a: {  	_ = 	snop  }
0x3b: {  	_ = 	snop  }
0x3c: {  	p2 =	seq.s32 s10, $0x1;
	s10 =	sld [smem:$0x3FAD]  }
0x3d: {  	_ =	shalt  }
0x3e: {  	_ =	shalt  }
0x3f: {  	_ =	shalt  }
0x40: {  	_ =	shalt  }
0x41: {  	_ =	shalt  }
0x42: {  	_ =	shalt  }
0x43: {  	_ =	shalt  }
0x44: {  	_ =	shalt  }
0x45: {  	_ =	shalt  }
0x46: {  	_ =	shalt  }
0x47: {  	_ =	shalt  }
0x48: {  	_ =	shalt  }
0x49: {  	_ =	shalt  }
0x4a: {  	_ =	shalt  }
0x4b: {  	_ =	shalt  }
0x4c: {  	_ =	shalt  }
0x4d: {  	_ =	shalt  }
0x4e: {  	_ =	shalt  }
0x4f: {  	_ =	shalt  }
0x50: {  	_ =	shalt  }
0x51: {  	_ =	shalt  }
0x52: {  	_ =	shalt  }
0x53: {  	_ =	shalt  }
0x54: {  	_ =	shalt  }
0x55: {  	_ =	shalt  }
0x56: {  	_ =	shalt  }
0x57: {  	_ =	shalt  }
0x58: {  	_ =	shalt  }
0x59: {  	_ =	shalt  }
0x5a: {  	_ =	shalt  }
0x5b: {  	_ =	shalt  }
0x5c: {  	_ =	shalt  }
0x5d: {  	_ =	shalt  }
0x5e: {  	_ =	shalt  }
0x5f: {  	_ =	shalt  }
0x60: {  	_ =	shalt  }
0x61: {  	_ =	shalt  }
0x62: {  	_ =	shalt  }
0x63: {  	_ =	shalt  }
0x64: {  	_ =	shalt  }
0x65: {  	_ =	shalt  }
0x66: {  	_ =	shalt  }
0x67: {  	_ =	shalt  }
0x68: {  	_ =	shalt  }
0x69: {  	_ =	shalt  }
0x6a: {  	_ =	shalt  }
0x6b: {  	_ =	shalt  }
0x6c: {  	_ =	shalt  }
0x6d: {  	_ =	shalt  }
0x6e: {  	_ =	shalt  }
0x6f: {  	_ =	shalt  }
0x70: {  	_ =	shalt  }
0x71: {  	_ =	shalt  }
0x72: {  	_ =	shalt  }
0x73: {  	_ =	shalt  }
0x74: {  	_ =	shalt  }
0x75: {  	_ =	shalt  }
0x76: {  	_ =	shalt  }
0x77: {  	_ =	shalt  }
0x78: {  	_ =	shalt  }
0x79: {  	_ =	shalt  }
0x7a: {  	_ =	shalt  }
0x7b: {  	_ =	shalt  }
0x7c: {  	_ =	shalt  }
0x7d: {  	_ =	shalt  }
0x7e: {  	_ =	shalt  }
0x7f: {  	_ =	shalt  }
0x80: {  	_ =	shalt  }
0x81: {  	_ =	shalt  }
0x82: {  	_ =	shalt  }
0x83: {  	_ =	shalt  }
0x84: {  	_ =	shalt  }
0x85: {  	_ =	shalt  }
0x86: {  	_ =	shalt  }
0x87: {  	_ =	shalt  }
.Lfunc_end0:
.L_simem_size_0:
called_computation.3_lowered:
.L_overlay_start_0:
0x88: {  	s2 =	sld [smem:$0x3FD9]  }
0x89: {  	s3 =	sld [smem:$0x3FFE];
	_ =	sdelay $0x1  }
0x8a: {  	s1 =	srdreg.scid  }
0x8b: {  	s0 =	sand.u32 $0x1, s1  }
0x8c: {  	s16 =	sshll.u32 s0, $0xA;
	s2 =	sadd.s32 s3, s2  }
0x8d: {  	s2 =	sadd.s32 s2, s16  }
0x8e: {  	[smem:$0x3FB9] =	sst s2  }
0x8f: {  	_ = 	snop  }
0x90: {  	(tm) =	ssettm $0x1  }
0x91: {  	s17 =	sld [smem:$0x3FFB];
	_ =	sdelay $0x3  }
0x92: {  	_ =	strace s17  }
0x93: {  	s2 =	sld [smem:$0x3FFC];
	_ =	sdelay $0x3  }
0x94: {  	_ =	strace s2  }
0x95: {  	s2 =	sld [smem:$0x3FFD];
	_ =	sdelay $0x3  }
0x96: {  	_ =	strace s2  }
0x97: {  	_ =	strace $0x8FFFFFFF  }
0x98: {  	s18 =	sld [smem:$0x3FDB];
	_ =	sdelay $0x1  }
0x99: {  	s19 =	simm.s32 $_scs_section_size  }
0x9a: {  	s4 =	simm.s32 $_size__tile_overlayer_lowered;
	s5 =	simm.s32 $_tile_overlayer_lowered  }
0x9b: {  	s22 =	simm.s32 $0x1BFF;
	s21 =	sshll.u32 s5, $0x1;
	s2 =	sadd.s32 s19, s18  }
0x9c: {  	s6 =	simm.s32 $0x0;
	s20 =	sshll.u32 s4, $0x1;
	s4 =	sadd.s32 s21, s2  }
0x9d: {  	[timem:s6], [sflag:s22] =	dma.local [hbm:s4], s20  }
0x9e: {  	_ =	swait.ge [sflag:s22], s20  }
0x9f: {  	s3 =	ssub.s32 $0x0, s20;
	[sflag:s22] =	ssyncset.done $0x0  }
0xa0: {  	[sflag:s22] =	ssyncadd.s32 s3;
	_ =	sdelay $0x1  }
0xa1: {  	s23 =	simm.s32 $0x1B8B  }
0xa2: {  	_ =	swait.ge [sflag:s23], $0x1  }
0xa3: {  	[sflag:s23] =	ssyncset.done $0x0  }
0xa4: {  	s25 =	simm.s32 $0x1B8E;
	s24 =	sld [smem:$0x3FFE];
	[sflag:s23] =	ssyncadd.s32 $0xFFFFFFFF  }
0xa5: {  	s26 =	simm.s32 $execute0_lowered;
	[smem:$0x3FD2] =	sst s25  }
0xa6: {  	s4 =	sshll.u32 s26, $0x1;
	_ =	strace $0x8000004F;
	[dreg:$0x1] =	wrdreg $0xFFFFFFFF  }
0xa7: {  	s28 =	simm.s32 $_size_execute0_lowered;
	s2 =	sadd.s32 s2, s4;
	[dreg:$0x0] =	wrdreg $0x0  }
0xa8: {  	s4 =	sshll.u32 s28, $0x1;
	[dreg:$0x2] =	wrdreg s2  }
0xa9: {  	[dreg:$0x3] =	wrdreg s4  }
0xaa: {  	[dreg:$0x4] =	wrdreg $0xC0  }
0xab: {  	_ =	task [dreg:s6], $0x5FFFF  }
0xac: {  	[dreg:$0x1] =	wrdreg $0xFFFFFFFF  }
0xad: {  	[dreg:$0x0] =	wrdreg $0x60  }
0xae: {  	[dreg:$0x2] =	wrdreg s24  }
0xaf: {  	[dreg:$0x3] =	wrdreg $0x69000  }
0xb0: {  	[dreg:$0x4] =	wrdreg $0x9  }
0xb1: {  	_ =	task.clear_ibuf [dreg:s6], $0x5FFFF;
	_ =	strace $0x9000004F  }
0xb2: {  	s29 =	simm.s32 $0x9;
	_ =	strace $0x80000051  }
0xb3: {  	_ =	swait.ge [sflag:s29], $0x1  }
0xb4: {  	[sflag:s29] =	ssyncadd.s32 $0xFFFFFFFF  }
0xb5: {  	_ =	strace $0x90000051  }
0xb6: {  	_ =	sfence  }
0xb7: {  	s30 =	sld [smem:$0x0];
	_ =	sdelay $0x2  }
0xb8: {  	s31 =	sshll.u32 s1, $0xD;
	s1 =	sshrl.u32 s1, $0x2  }
0xb9: {  	s3 =	sand.u32 $0x4000, s31;
	s1 =	sadd.s32 s1, s30  }
0xba: {  	s0 =	sor.u32 s3, s0;
	s1 =	sshll.u32 s1, $0x11  }
0xbb: {  	s0 =	sor.u32 s1, s0  }
0xbc: {  	s0 =	sadd.s32 $0x8F2B, s0  }
0xbd: {  	[sflag:s0] =	ssyncadd.remote.s32 $0x1  }
0xbe: {  	_ =	sfence.sel $0xFFFF  }
0xbf: {  	[dreg:$0x0] =	wrdreg $0xFFFFFFFF;
	(pc) =	sbr.abs _section_cstart, $3  }
0xc0: {  	[dreg:$0x1] =	wrdreg $0xFFFFFFFF  }
0xc1: {  	_ =	task.clear_ibuf [dreg:s6], $0x2FFFF;
	_ =	strace $0x9FFFFFFF  }
0xc2: {  	(tm) =	ssettm $0x7FFFFFFF  }
0xc3: {  	_ =	shalt  }
tec
execute0_lowered:
.L_overlay_start_1:
0x0: {  	(tag) =	ssettag $0x1  }
0x1: {  	s1 =	srdreg.scid  }
0x2: {  	s0 =	stileid.u32;
	s6 =	rddreg [dreg:$0x0]  }
0x3: {  	s2 =	rddreg [dreg:$0x1];
	s3 =	simm.s32 $0x0;
	s13 =	simm.s32 $0x10  }
0x4: {  	s14 =	simm.s32 $0x20;
	s15 =	simm.s32 $0x2;
	s16 =	simm.s32 $0x80  }
0x5: {  	s17 =	simm.s32 $0x400;
	s18 =	simm.s32 $0x6800;
	s19 =	simm.s32 $0x50  }
0x6: {  	s20 =	simm.s32 $0x6780;
	s21 =	simm.s32 $0x6880;
	s22 =	simm.s32 $0x0  }
0x7: {  	s5 =	sand.u32 $0x1, s1;
	s23 =	sshll.u32 s0, $0x1;
	s1 =	rddreg [dreg:$0x2]  }
0x8: {  	s24 =	sshrl.u32 s0, $0x2;
	[smem:$0x7FF] =	sst s3;
	s9 =	smul.u32 $0x500, s0  }
0x9: {  	s25 =	smul.u32 $0xA00, s0;
	s31 =	sshll.u32 s0, $0x6;
	s7 =	sor.u32 s5, s23  }
0xa: {  	s4 =	smul.u32 $0x14000, s24;
	_ =	strace $0x80000050;
	s10 =	sshll.u32 s5, $0x7  }
0xb: {  	s5 =	ssub.s32 $0x2, s5;
	s8 =	sshll.u32 s7, $0x7;
	s7 =	sshll.u32 s7, $0xB  }
0xc: {  	s9 =	sor.u32 s10, s9;
	s28 =	sshrl.u32 s5, $0x1;
	s29 =	sshrl.u32 s25, $0x2  }
0xd: {  	s8 =	sand.u32 $0x380, s8;
	s11 =	sadd.s32 s7, s6;
	s26 =	sshrl.u32 s9, $0x3  }
0xe: {  	s30 =	ssub.s32 s5, s28;
	s12 =	sadd.s32 s29, s2;
	s4 =	sor.u32 s4, s8  }
0xf: {  	s9 =	sadd.s32 s26, s6;
	s10 =	smax.u32 s30, $0x1;
	s8 =	sshrl.u32 s4, $0x3  }
0x10: {  	s4 =	sadd.s32 $0x1DC00, s6;
	s5 =	sadd.s32 $0x1D200, s9;
	s8 =	sadd.s32 s8, s6  }
0x11: {  	s9 =	sadd.s32 $0x1E200, s9;
	s6 =	sor.u32 $0x1C02, s31;
	s7 =	sadd.s32 $0x13200, s8  }
0x12: {  	s8 =	sadd.s32 $0x3200, s11;
	s11 =	sshrl.u32 s12, $0x3;
	s12 =	simm.s32 $0x1  }
.LBB2_1:
0x13: {  	[spmem:s11@s13], [sflag:s6] =	dma.strided [hbm:s5@s14], $0x50, s12, $0x10   }
0x14: {  	_ =	swait.ge [sflag:s15], $0x50  }
0x15: {  	[sflag:s15] =	ssyncset.done $0x0  }
0x16: {  	[sflag:s15] =	ssyncadd.s32 $0xFFFFFFB0  }
0x17: {  	[tilespmem:s3], [sflag:$0x2] =	stream.strided.gather [hbm4b:s7+s16], $0x2800, s17, s16, $0x38;
	[tilespmem:$0x6B80] =	vst v63  }
0x18: {  	_ =	swait.ge [sflag:s15], $0x2800  }
0x19: {  	[sflag:s15] =	ssyncset.done $0x0  }
0x1a: {  	s23 =	simm.s32 $0x2800;
	[sflag:s15] =	ssyncadd.s32 $0xFFFFD800  }
0x1b: {  	[tilespmem:s23], [sflag:$0x2] =	stream.linear.gather [hbm4b:s8+s3], $0x4000, $0x38;
	[tilespmem:$0x6B80] =	vst v63  }
0x1c: {  	_ =	swait.ge [sflag:s15], $0x4000  }
0x1d: {  	[sflag:s15] =	ssyncset.done $0x0  }
0x1e: {  	s24 =	simm.s32 $0x0;
	[sflag:s15] =	ssyncadd.s32 $0xFFFFC000  }
0x1f: {  	s24 =	sand.u32 $0x80, s24;
	[bflag:$0x0] =	sbarrier.arrive $0xFFFF  }
0x20: {  	[tilespmem:s18], [sflag:$0x1] =	stream.indirect.gather [hbm4b:s4+s19], $0x1, s3, s19, $0xb8;
	[tilespmem:$0x6B80] =	vst v63  }
0x21: {  	s25 =	sxor.u32 $0x6880, s24  }
0x22: {  	[tilespmem:s25], [sflag:$0x1] =	stream.indirect.gather [hbm4b:s4+s19], $0x1, s19, s19, $0xb8;
	[tilespmem:$0x6B80] =	vst v63  }
0x23: {  	_ =	swait.ge [sflag:s12], $0x50  }
0x24: {  	[sflag:s12] =	ssyncset.done $0x0  }
0x25: {  	s31 =	simm.s32 $0x80;
	s24 =	sor.u32 $0x6800, s24;
	[sflag:s12] =	ssyncadd.s32 $0xFFFFFFB0  }
0x26: {  	[spmem:s2] =	stream.indirect.scatter.add.f32 [tilespmem:s24], [sflag:$0x2], $0x1, s23, s19, $0xb8;
	[tilespmem:$0x6B80] =	vst v63  }
0x27: {  	s26 =	simm.s32 $0x2;
	s25 =	sand.u32 $0x80, s31;
	_ =	swait.ge [sflag:s15], $0x50  }
0x28: {  	s24 =	simm.s32 $0xA0;
	s23 =	simm.s32 $0x2880;
	[sflag:s15] =	ssyncset.done $0x0  }
.LBB2_2:
0x29: {  	s28 =	sxor.u32 $0x6880, s25  }
0x2a: {  	[sflag:s15] =	ssyncadd.s32 $0xFFFFFFB0;
	s29 =	smov.u32 s26;
	s30 =	sadd.s32 $0x1, s26  }
0x2b: {  	[tilespmem:s28], [sflag:$0x1] =	stream.indirect.gather [hbm4b:s4+s19], $0x1, s24, s19, $0xb8;
	[tilespmem:$0x6B80] =	vst v63  }
0x2c: {  	p0 =	sne.s32 s26, $0x7E;
	_ =	swait.ge [sflag:s12], $0x50  }
.Ltmp0:
0x2d: {  	[sflag:s12] =	ssyncset.done $0x0;
	(pc) =	sbr.rel @p0 .LBB2_2-.Ltmp0, $4  }
0x2e: {  	s25 =	sor.u32 $0x6800, s25;
	s24 =	sadd.s32 $0x50, s24;
	[sflag:s12] =	ssyncadd.s32 $0xFFFFFFB0  }
0x2f: {  	[spmem:s2] =	stream.indirect.scatter.add.f32 [tilespmem:s25], [sflag:$0x2], $0x1, s23, s19, $0xb8;
	[tilespmem:$0x6B80] =	vst v63  }
0x30: {  	s26 =	smov.u32 s30;
	s25 =	sshll.u32 s29, $0x7;
	_ =	swait.ge [sflag:s15], $0x50  }
0x31: {  	s23 =	sadd.s32 $0x80, s23;
	s25 =	sand.u32 $0x80, s25;
	[sflag:s15] =	ssyncset.done $0x0  }
0x32: {  	s26 =	sxor.u32 $0x6880, s25;
	[sflag:s15] =	ssyncadd.s32 $0xFFFFFFB0  }
0x33: {  	[tilespmem:s26], [sflag:$0x1] =	stream.indirect.gather [hbm4b:s4+s19], $0x1, s24, s19, $0xb8;
	[tilespmem:$0x6B80] =	vst v63  }
0x34: {  	_ =	swait.ge [sflag:s12], $0x50  }
0x35: {  	[sflag:s12] =	ssyncset.done $0x0  }
0x36: {  	s31 =	sor.u32 $0x6800, s25;
	[sflag:s12] =	ssyncadd.s32 $0xFFFFFFB0  }
0x37: {  	[spmem:s2] =	stream.indirect.scatter.add.f32 [tilespmem:s31], [sflag:$0x2], $0x1, s23, s19, $0xb8;
	[tilespmem:$0x6B80] =	vst v63  }
0x38: {  	_ =	swait.ge [sflag:s15], $0x50  }
0x39: {  	[sflag:s15] =	ssyncset.done $0x0  }
0x3a: {  	[sflag:s15] =	ssyncadd.s32 $0xFFFFFFB0  }
0x3b: {  	_ =	swait.ge [sflag:s12], $0x50  }
0x3c: {  	[sflag:s12] =	ssyncset.done $0x0  }
0x3d: {  	[sflag:s12] =	ssyncadd.s32 $0xFFFFFFB0  }
0x3e: {  	[spmem:s2] =	stream.indirect.scatter.add.f32 [tilespmem:s21], [sflag:$0x2], $0x1, s20, s19, $0xb8;
	[tilespmem:$0x6B80] =	vst v63  }
0x3f: {  	_ =	swait.ge [sflag:s15], $0x50  }
0x40: {  	s22 =	sadd.s32 $0x1, s22;
	[sflag:s15] =	ssyncset.done $0x0  }
0x41: {  	p0 =	sne.s32 s22, s10;
	[sflag:s15] =	ssyncadd.s32 $0xFFFFFFB0  }
.Ltmp1:
0x42: {  	[bflag:$0x0] =	sbarrier.arrive $0xFFFF;
	(pc) =	sbr.rel @p0 .LBB2_1-.Ltmp1, $4  }
0x43: {  	[hbm:s9@s14], [sflag:s6] =	dma.strided [spmem:s11@s13], $0x50, s12, $0x10   }
0x44: {  	_ =	swait.ge [sflag:s15], $0x50  }
0x45: {  	[sflag:s15] =	ssyncset.done $0x0  }
0x46: {  	[sflag:s15] =	ssyncadd.s32 $0xFFFFFFB0  }
0x47: {  	_ =	sfence.sel $0x180000  }
0x48: {  	[bflag:$0x0] =	sbarrier.arrive $0xFFFF  }
0x49: {  	p0 =	sne.s32 s0, $0x0;
	_ =	strace $0x90000050  }
0x4a: {  	s0 =	sadd.s32 @!p0 $0x100000, s1;
	[bflag:$0x2] =	sbarrier.arrive $0xFFFF  }
0x4b: {  	[sflag:s0] =	ssyncadd.tile.s32 @!p0 $0x1;
	_ =	shalt  }
.Lfunc_end2:
_tile_overlayer_lowered:
.L_overlay_start_2:
0x4c: {  	(tag) =	ssettag $0x2  }
0x4d: {  	s0 =	rddreg [dreg:$0x0];
	s2 =	stileid.u32  }
0x4e: {  	s1 =	rddreg [dreg:$0x1];
	p0 =	sne.s32 s2, $0x0  }
0x4f: {  	s3 =	rddreg [dreg:$0x2];
	[bflag:$0x3] =	sbarrier.arrive $0xFFFF;
	s2 =	simm.s32 @!p0 $0x1C02  }
0x50: {  	[timem:s3], [sflag:s2] =	dma.local @!p0 [hbm:s0], s1  }
0x51: {  	s0 =	simm.s32 @!p0 $0x2  }
0x52: {  	_ =	swait.ge @!p0 [sflag:s0], s1  }
0x53: {  	s1 =	ssub.s32 @!p0 $0x0, s1;
	[sflag:s0] =	ssyncset.done @!p0 $0x0  }
0x54: {  	[sflag:s0] =	ssyncadd.s32 @!p0 s1  }
0x55: {  	[bflag:$0x3] =	sbarrier.arrive $0xFFFF  }
0x56: {  	_ =	shalt  }

</sc_bundles>
